<compile_context>
chip_gen: v7x
topology: tpu7x:2x2x1
jax: 0.10.2.dev20260603
libtpu: 0.0.44.dev20260713+nightly
codegen_flags: <defaults>
</compile_context>

<pallas_src>
import functools

import jax
import jax.numpy as jnp
from jax import lax
from jax.experimental import pallas as pl
from jax.experimental.pallas import tpu as pltpu
from jax.experimental.pallas import tpu_sc as plsc

N = 10000
NPAD = 10240
E = 320000
DIN = 128
DOUT = 128
NC = 2
NS = 16
NW = NC * NS
EPW = 10240
K = 128
CH = EPW // K
EPAD = NW * EPW
RPT = NPAD // NS
FK = 2


@functools.partial(
    pl.kernel,
    out_type=jax.ShapeDtypeStruct((NC, NPAD), jnp.float32),
    mesh=plsc.VectorSubcoreMesh(core_axis_name="c", subcore_axis_name="s"),
    scratch_types=[
        pltpu.VMEM((CH, K), jnp.int32),
        pltpu.VMEM((K,), jnp.float32),
        pltpu.VMEM_SHARED((NPAD,), jnp.float32),
        pltpu.SemaphoreType.DMA,
    ],
)
def _deg_kernel(dst_hbm, z1_hbm, out_hbm, didx, ones_v, deg_sh, dsem):
    cid = lax.axis_index("c")
    sid = lax.axis_index("s")
    wid = cid * NS + sid
    pltpu.sync_copy(dst_hbm.at[wid], didx)
    pltpu.sync_copy(z1_hbm.at[pl.ds(sid * RPT, RPT)],
                    deg_sh.at[pl.ds(sid * RPT, RPT)])
    for j in range(K // 16):
        ones_v[pl.ds(16 * j, 16)] = jnp.ones((16,), jnp.float32)
    plsc.subcore_barrier()

    def body(gi, carry):
        for j in range(8):
            c = gi * 8 + j
            pltpu.async_copy(ones_v, deg_sh.at[didx.at[c]], dsem, add=True)
        for j in range(8):
            c = gi * 8 + j
            pltpu.make_async_copy(ones_v, deg_sh.at[didx.at[c]],
                                  dsem).wait()
        return carry

    lax.fori_loop(0, CH // 8, body, 0)
    plsc.subcore_barrier()
    pltpu.sync_copy(deg_sh.at[pl.ds(sid * RPT, RPT)],
                    out_hbm.at[cid, pl.ds(sid * RPT, RPT)])


G = 40
NGRP = CH // G


@functools.partial(
    pl.kernel,
    out_type=jax.ShapeDtypeStruct((NC, NPAD, DIN), jnp.float32),
    mesh=plsc.VectorSubcoreMesh(core_axis_name="c", subcore_axis_name="s"),
    scratch_types=[
        pltpu.VMEM((G, K), jnp.int32),
        pltpu.VMEM((G, K), jnp.int32),
        pltpu.VMEM((FK * K, DIN), jnp.float32),
        pltpu.VMEM_SHARED((NPAD, DIN), jnp.float32),
        pltpu.SemaphoreType.DMA,
        pltpu.SemaphoreType.DMA,
        pltpu.SemaphoreType.DMA,
        pltpu.SemaphoreType.DMA,
    ],
)
def _agg_kernel(y_hbm, src_hbm, dst_hbm, z2_hbm, out_hbm,
                sidx, didx, rows, acc_sh, gsem0, gsem1, ssem0, ssem1):
    cid = lax.axis_index("c")
    sid = lax.axis_index("s")
    wid = cid * NS + sid
    gsems = (gsem0, gsem1)
    ssems = (ssem0, ssem1)
    pltpu.sync_copy(z2_hbm, acc_sh.at[pl.ds(sid * RPT, RPT)])
    plsc.subcore_barrier()

    def group(g, carry):
        pltpu.sync_copy(src_hbm.at[wid, pl.ds(g * G, G)], sidx)
        pltpu.sync_copy(dst_hbm.at[wid, pl.ds(g * G, G)], didx)
        for b in range(2):
            pltpu.async_copy(y_hbm.at[sidx.at[b]],
                             rows.at[pl.ds(b * K, K)], gsems[b])

        def body(k, carry2):
            for b in range(2):
                l = 2 * k + b
                rb = rows.at[pl.ds(b * K, K)]
                pltpu.make_async_copy(y_hbm.at[sidx.at[l]], rb,
                                      gsems[b]).wait()
                pltpu.async_copy(rb, acc_sh.at[didx.at[l]], ssems[b],
                                 add=True)

                @pl.when(l + 2 < G)
                def _():
                    pltpu.make_async_copy(rb, acc_sh.at[didx.at[l]],
                                          ssems[b]).wait()
                    pltpu.async_copy(y_hbm.at[sidx.at[l + 2]], rb, gsems[b])

            return carry2

        lax.fori_loop(0, G // 2, body, carry)
        for b in range(2):
            l = G - 2 + b
            pltpu.make_async_copy(rows.at[pl.ds(b * K, K)],
                                  acc_sh.at[didx.at[l]], ssems[b]).wait()
        return carry

    lax.fori_loop(0, NGRP, group, 0)
    plsc.subcore_barrier()
    pltpu.sync_copy(acc_sh.at[pl.ds(sid * RPT, RPT)],
                    out_hbm.at[cid, pl.ds(sid * RPT, RPT)])


def _scale_body(x_ref, dp_ref, y_ref):
    dp = dp_ref[...]
    deg = dp[0] + dp[1]
    dis = jnp.where(deg > 0, lax.rsqrt(deg), 0.0)
    y_ref[...] = x_ref[...] * dis


SBLK = 1000

_scale = pl.pallas_call(
    _scale_body,
    grid=(N // SBLK,),
    in_specs=[
        pl.BlockSpec((SBLK, DIN), lambda i: (i, 0)),
        pl.BlockSpec((NC, SBLK, 1), lambda i: (0, i, 0)),
    ],
    out_specs=pl.BlockSpec((SBLK, DIN), lambda i: (i, 0)),
    out_shape=jax.ShapeDtypeStruct((N, DIN), jnp.float32),
)


def _final_body(ap_ref, dp_ref, w_ref, b_ref, o_ref):
    ap = ap_ref[...]
    acc = ap[0] + ap[1]
    dp = dp_ref[...]
    deg = dp[0] + dp[1]
    dis = jnp.where(deg > 0, lax.rsqrt(deg), 0.0)
    t = acc * dis
    o_ref[...] = (
        jnp.dot(t, w_ref[...], preferred_element_type=jnp.float32) + b_ref[...]
    )


_final = pl.pallas_call(
    _final_body,
    grid=(N // SBLK,),
    in_specs=[
        pl.BlockSpec((NC, SBLK, DIN), lambda i: (0, i, 0)),
        pl.BlockSpec((NC, SBLK, 1), lambda i: (0, i, 0)),
        pl.BlockSpec((DIN, DOUT), lambda i: (0, 0)),
        pl.BlockSpec((1, DOUT), lambda i: (0, 0)),
    ],
    out_specs=pl.BlockSpec((SBLK, DOUT), lambda i: (i, 0)),
    out_shape=jax.ShapeDtypeStruct((N, DOUT), jnp.float32),
)


def kernel(x, edge_index, W, b):
    x = x.astype(jnp.float32)
    src = edge_index[0].astype(jnp.int32)
    dst = edge_index[1].astype(jnp.int32)
    npad = EPAD - E
    pidx = jnp.arange(npad, dtype=jnp.int32)
    srcp = jnp.concatenate([src, pidx % N])
    dstp = jnp.concatenate([dst, N + pidx % (NPAD - N)])
    src_r = srcp.reshape(NW, CH, K)
    dst_r = dstp.reshape(NW, CH, K)
    z1 = jnp.zeros((NPAD,), jnp.float32)
    z2 = jnp.zeros((RPT, DIN), jnp.float32)

    deg_p = _deg_kernel(dst_r, z1)
    dp3 = deg_p.reshape(NC, NPAD, 1)
    y = _scale(x, dp3)
    acc_p = _agg_kernel(y, src_r, dst_r, z2)
    return _final(acc_p, dp3, W, b.reshape(1, DOUT))

# --- scband reference (transcript-rebuilt; emitter-appended) ---
"""Pipeline reference for scband-graph-embedding-11836929868237 (READ-ONLY COPY).

The authoritative reference and input builder live on the scoring server;
editing this copy changes nothing except your own understanding.
"""

import jax, jax.numpy as jnp
import numpy as np

N = 10000
E = 320000
D_IN = 128
D_OUT = 128


def setup_inputs(seed: int = 0) -> dict:
    key = jax.random.key(seed)
    k1, k2, k3 = jax.random.split(key, 3)
    x = jax.random.normal(k1, (N, D_IN), dtype=jnp.float32)
    edge_index = jax.random.randint(k2, (2, E), 0, N, dtype=jnp.int64)
    # glorot init for weight, zeros for bias (matches reset_parameters)
    limit = float(np.sqrt(6.0 / (D_IN + D_OUT)))
    W = jax.random.uniform(k3, (D_IN, D_OUT), minval=-limit, maxval=limit, dtype=jnp.float32)
    b = jnp.zeros((D_OUT,), dtype=jnp.float32)
    return {"x": x, "edge_index": edge_index, "W": W, "b": b}


def reference(x, edge_index, W, b):
    # GCN-style message passing (aggr='add', node_dim=0), as in the AdaGCNConv family,
    # driven by the provided edge_index.
    src = edge_index[0]
    dst = edge_index[1]
    edge_weight = jnp.ones((E,), dtype=x.dtype)
    # gcn_norm: D^{-1/2} A D^{-1/2}
    deg = jnp.zeros((N,), dtype=x.dtype).at[dst].add(edge_weight)
    deg_inv_sqrt = jnp.where(deg > 0, deg ** -0.5, 0.0)
    norm = deg_inv_sqrt[src] * edge_weight * deg_inv_sqrt[dst]
    # linear transform then propagate: message = norm * x_j ; aggregate = scatter-add at dst
    h = x @ W
    msgs = norm[:, None] * jnp.take(h, src, axis=0)
    out = jnp.zeros((N, D_OUT), dtype=x.dtype).at[dst].add(msgs)
    out = out + b
    return out

if __name__ == "__main__":
    import jax
    _d = setup_inputs()
    print(jax.jit(kernel)(*tuple(_d.values())))

</pallas_src>

<mosaic_0001>
#map = affine_map<(d0, d1) -> (0, 0, 0)>
#map1 = affine_map<(d0, d1) -> (0)>
#map2 = affine_map<(d0, d1) -> (0, 0)>
module attributes {stable_mosaic.version = 14 : i64} {
  func.func @_deg_kernel(%arg0: i32, %arg1: i32, %arg2: memref<32x80x128xi32, #tpu.memory_space<hbm>>, %arg3: memref<10240xf32, #tpu.memory_space<hbm>>, %arg4: memref<2x10240xf32, #tpu.memory_space<hbm>>, %arg5: memref<80x128xi32, #tpu.memory_space<vmem>>, %arg6: memref<128xf32, #tpu.memory_space<vmem>>, %arg7: memref<10240xf32, #tpu.memory_space<vmem_shared>>, %arg8: memref<!tpu.dma_semaphore, #tpu.memory_space<semaphore_mem>>) attributes {dimension_semantics = [#tpu.dimension_semantics<core_parallel>, #tpu.dimension_semantics<subcore_parallel>], iteration_bounds = array<i64: 2, 16>, scalar_prefetch = 0 : i64, scratch_operands = 4 : i64, tpu.core_type = #tpu.core_type<sc_vector_subcore>, window_params = [{transform_indices = #map}, {transform_indices = #map1}, {transform_indices = #map2}]} {
    %mul3A = arith.constant 16 : i32
    %mul3A_0 = arith.muli %arg0, %mul3A : i32
    %add3A = arith.addi %mul3A_0, %arg1 : i32
    "tpu.region"() ({
      %run_scoped3A = tpu.sem_alloc : memref<!tpu.dma_semaphore, #tpu.memory_space<semaphore_mem>>
      %dma_start3A = arith.constant 0 : i32
      %dma_start3A_61 = arith.constant 0 : i32
      %dma_start3A_62 = tpu.memref_slice %arg2[%add3A, %dma_start3A, %dma_start3A_61] : memref<32x80x128xi32, #tpu.memory_space<hbm>> -> memref<1x80x128xi32, #tpu.memory_space<hbm>>
      %dma_start3A_63 = tpu.memref_squeeze %dma_start3A_62 : memref<1x80x128xi32, #tpu.memory_space<hbm>> -> memref<80x128xi32, #tpu.memory_space<hbm>>
      %dma_start3A_64 = arith.constant 0 : i32
      %dma_start3A_65 = arith.constant 0 : i32
      %dma_start3A_66 = tpu.memref_slice %arg2[%add3A, %dma_start3A_64, %dma_start3A_65] : memref<32x80x128xi32, #tpu.memory_space<hbm>> -> memref<1x80x128xi32, #tpu.memory_space<hbm>>
      %dma_start3A_67 = tpu.memref_squeeze %dma_start3A_66 : memref<1x80x128xi32, #tpu.memory_space<hbm>> -> memref<80x128xi32, #tpu.memory_space<hbm>>
      tpu.enqueue_dma source(%dma_start3A_67 : memref<80x128xi32, #tpu.memory_space<hbm>>) target(%arg5 : memref<80x128xi32, #tpu.memory_space<vmem>>) target_semaphore(%run_scoped3A : memref<!tpu.dma_semaphore, #tpu.memory_space<semaphore_mem>>)
      %dma_wait3A = arith.constant 0 : i32
      %dma_wait3A_68 = arith.constant 0 : i32
      %dma_wait3A_69 = tpu.memref_slice %arg2[%add3A, %dma_wait3A, %dma_wait3A_68] : memref<32x80x128xi32, #tpu.memory_space<hbm>> -> memref<1x80x128xi32, #tpu.memory_space<hbm>>
      %dma_wait3A_70 = tpu.memref_squeeze %dma_wait3A_69 : memref<1x80x128xi32, #tpu.memory_space<hbm>> -> memref<80x128xi32, #tpu.memory_space<hbm>>
      %dma_wait3A_71 = arith.constant 0 : i32
      %dma_wait3A_72 = arith.constant 0 : i32
      %dma_wait3A_73 = tpu.memref_slice %arg2[%add3A, %dma_wait3A_71, %dma_wait3A_72] : memref<32x80x128xi32, #tpu.memory_space<hbm>> -> memref<1x80x128xi32, #tpu.memory_space<hbm>>
      %dma_wait3A_74 = tpu.memref_squeeze %dma_wait3A_73 : memref<1x80x128xi32, #tpu.memory_space<hbm>> -> memref<80x128xi32, #tpu.memory_space<hbm>>
      tpu.wait_dma2 semaphore(%run_scoped3A : memref<!tpu.dma_semaphore, #tpu.memory_space<semaphore_mem>>) src(%dma_wait3A_74 : memref<80x128xi32, #tpu.memory_space<hbm>>) dst(%arg5 : memref<80x128xi32, #tpu.memory_space<vmem>>)
      tpu.yield
    }) : () -> ()
    %mul3A_1 = arith.constant 640 : i32
    %mul3A_2 = arith.muli %arg1, %mul3A_1 : i32
    %mul3A_3 = arith.constant 640 : i32
    %mul3A_4 = arith.muli %arg1, %mul3A_3 : i32
    "tpu.region"() ({
      %run_scoped3A = tpu.sem_alloc : memref<!tpu.dma_semaphore, #tpu.memory_space<semaphore_mem>>
      %dma_start3A = tpu.memref_slice %arg7[%mul3A_4] : memref<10240xf32, #tpu.memory_space<vmem_shared>> -> memref<640xf32, #tpu.memory_space<vmem_shared>>
      %dma_start3A_61 = tpu.memref_slice %arg3[%mul3A_2] : memref<10240xf32, #tpu.memory_space<hbm>> -> memref<640xf32, #tpu.memory_space<hbm>>
      tpu.enqueue_dma source(%dma_start3A_61 : memref<640xf32, #tpu.memory_space<hbm>>) target(%dma_start3A : memref<640xf32, #tpu.memory_space<vmem_shared>>) target_semaphore(%run_scoped3A : memref<!tpu.dma_semaphore, #tpu.memory_space<semaphore_mem>>)
      %dma_wait3A = tpu.memref_slice %arg7[%mul3A_4] : memref<10240xf32, #tpu.memory_space<vmem_shared>> -> memref<640xf32, #tpu.memory_space<vmem_shared>>
      %dma_wait3A_62 = tpu.memref_slice %arg3[%mul3A_2] : memref<10240xf32, #tpu.memory_space<hbm>> -> memref<640xf32, #tpu.memory_space<hbm>>
      tpu.wait_dma2 semaphore(%run_scoped3A : memref<!tpu.dma_semaphore, #tpu.memory_space<semaphore_mem>>) src(%dma_wait3A_62 : memref<640xf32, #tpu.memory_space<hbm>>) dst(%dma_wait3A : memref<640xf32, #tpu.memory_space<vmem_shared>>)
      tpu.yield
    }) : () -> ()
    %broadcast_in_dim3A = arith.constant 1.000000e+00 : f32
    %broadcast_in_dim3A_5 = vector.broadcast %broadcast_in_dim3A : f32 to vector<16xf32>
    %swap3A = arith.constant 0 : index
    %swap3A_6 = tpu.vector_load %arg6[%swap3A] {strides = array<i32>} : memref<128xf32, #tpu.memory_space<vmem>>, vector<16xf32>,
    %swap3A_7 = vector.shape_cast %swap3A_6 : vector<16xf32> to vector<16xf32>
    %swap3A_8 = vector.shape_cast %broadcast_in_dim3A_5 : vector<16xf32> to vector<16xf32>
    tpu.vector_store %arg6[%swap3A], %swap3A_8 {strides = array<i32>} : memref<128xf32, #tpu.memory_space<vmem>>, vector<16xf32>,
    %broadcast_in_dim3A_9 = arith.constant 1.000000e+00 : f32
    %broadcast_in_dim3A_10 = vector.broadcast %broadcast_in_dim3A_9 : f32 to vector<16xf32>
    %swap3A_11 = arith.constant 16 : index
    %swap3A_12 = tpu.vector_load %arg6[%swap3A_11] {strides = array<i32>} : memref<128xf32, #tpu.memory_space<vmem>>, vector<16xf32>,
    %swap3A_13 = vector.shape_cast %swap3A_12 : vector<16xf32> to vector<16xf32>
    %swap3A_14 = vector.shape_cast %broadcast_in_dim3A_10 : vector<16xf32> to vector<16xf32>
    tpu.vector_store %arg6[%swap3A_11], %swap3A_14 {strides = array<i32>} : memref<128xf32, #tpu.memory_space<vmem>>, vector<16xf32>,
    %broadcast_in_dim3A_15 = arith.constant 1.000000e+00 : f32
    %broadcast_in_dim3A_16 = vector.broadcast %broadcast_in_dim3A_15 : f32 to vector<16xf32>
    %swap3A_17 = arith.constant 32 : index
    %swap3A_18 = tpu.vector_load %arg6[%swap3A_17] {strides = array<i32>} : memref<128xf32, #tpu.memory_space<vmem>>, vector<16xf32>,
    %swap3A_19 = vector.shape_cast %swap3A_18 : vector<16xf32> to vector<16xf32>
    %swap3A_20 = vector.shape_cast %broadcast_in_dim3A_16 : vector<16xf32> to vector<16xf32>
    tpu.vector_store %arg6[%swap3A_17], %swap3A_20 {strides = array<i32>} : memref<128xf32, #tpu.memory_space<vmem>>, vector<16xf32>,
    %broadcast_in_dim3A_21 = arith.constant 1.000000e+00 : f32
    %broadcast_in_dim3A_22 = vector.broadcast %broadcast_in_dim3A_21 : f32 to vector<16xf32>
    %swap3A_23 = arith.constant 48 : index
    %swap3A_24 = tpu.vector_load %arg6[%swap3A_23] {strides = array<i32>} : memref<128xf32, #tpu.memory_space<vmem>>, vector<16xf32>,
    %swap3A_25 = vector.shape_cast %swap3A_24 : vector<16xf32> to vector<16xf32>
    %swap3A_26 = vector.shape_cast %broadcast_in_dim3A_22 : vector<16xf32> to vector<16xf32>
    tpu.vector_store %arg6[%swap3A_23], %swap3A_26 {strides = array<i32>} : memref<128xf32, #tpu.memory_space<vmem>>, vector<16xf32>,
    %broadcast_in_dim3A_27 = arith.constant 1.000000e+00 : f32
    %broadcast_in_dim3A_28 = vector.broadcast %broadcast_in_dim3A_27 : f32 to vector<16xf32>
    %swap3A_29 = arith.constant 64 : index
    %swap3A_30 = tpu.vector_load %arg6[%swap3A_29] {strides = array<i32>} : memref<128xf32, #tpu.memory_space<vmem>>, vector<16xf32>,
    %swap3A_31 = vector.shape_cast %swap3A_30 : vector<16xf32> to vector<16xf32>
    %swap3A_32 = vector.shape_cast %broadcast_in_dim3A_28 : vector<16xf32> to vector<16xf32>
    tpu.vector_store %arg6[%swap3A_29], %swap3A_32 {strides = array<i32>} : memref<128xf32, #tpu.memory_space<vmem>>, vector<16xf32>,
    %broadcast_in_dim3A_33 = arith.constant 1.000000e+00 : f32
    %broadcast_in_dim3A_34 = vector.broadcast %broadcast_in_dim3A_33 : f32 to vector<16xf32>
    %swap3A_35 = arith.constant 80 : index
    %swap3A_36 = tpu.vector_load %arg6[%swap3A_35] {strides = array<i32>} : memref<128xf32, #tpu.memory_space<vmem>>, vector<16xf32>,
    %swap3A_37 = vector.shape_cast %swap3A_36 : vector<16xf32> to vector<16xf32>
    %swap3A_38 = vector.shape_cast %broadcast_in_dim3A_34 : vector<16xf32> to vector<16xf32>
    tpu.vector_store %arg6[%swap3A_35], %swap3A_38 {strides = array<i32>} : memref<128xf32, #tpu.memory_space<vmem>>, vector<16xf32>,
    %broadcast_in_dim3A_39 = arith.constant 1.000000e+00 : f32
    %broadcast_in_dim3A_40 = vector.broadcast %broadcast_in_dim3A_39 : f32 to vector<16xf32>
    %swap3A_41 = arith.constant 96 : index
    %swap3A_42 = tpu.vector_load %arg6[%swap3A_41] {strides = array<i32>} : memref<128xf32, #tpu.memory_space<vmem>>, vector<16xf32>,
    %swap3A_43 = vector.shape_cast %swap3A_42 : vector<16xf32> to vector<16xf32>
    %swap3A_44 = vector.shape_cast %broadcast_in_dim3A_40 : vector<16xf32> to vector<16xf32>
    tpu.vector_store %arg6[%swap3A_41], %swap3A_44 {strides = array<i32>} : memref<128xf32, #tpu.memory_space<vmem>>, vector<16xf32>,
    %broadcast_in_dim3A_45 = arith.constant 1.000000e+00 : f32
    %broadcast_in_dim3A_46 = vector.broadcast %broadcast_in_dim3A_45 : f32 to vector<16xf32>
    %swap3A_47 = arith.constant 112 : index
    %swap3A_48 = tpu.vector_load %arg6[%swap3A_47] {strides = array<i32>} : memref<128xf32, #tpu.memory_space<vmem>>, vector<16xf32>,
    %swap3A_49 = vector.shape_cast %swap3A_48 : vector<16xf32> to vector<16xf32>
    %swap3A_50 = vector.shape_cast %broadcast_in_dim3A_46 : vector<16xf32> to vector<16xf32>
    tpu.vector_store %arg6[%swap3A_47], %swap3A_50 {strides = array<i32>} : memref<128xf32, #tpu.memory_space<vmem>>, vector<16xf32>,
    %barrier3A = arith.constant 0 : index
    tpu.barrier barrier_id(%barrier3A)
    %scan3A = arith.constant 0 : i32
    %scan3A_51 = arith.constant 0 : i32
    %scan3A_52 = arith.constant 10 : i32
    %scan3A_53 = arith.addi %scan3A_51, %scan3A_52 : i32
    %scan3A_54 = arith.constant 1 : i32
    scf.for %scan3A_61 = %scan3A_51 to %scan3A_53 step %scan3A_54  : i32 {
      %mul3A_62 = arith.constant 8 : i32
      %mul3A_63 = arith.muli %scan3A_61, %mul3A_62 : i32
      %add3A_64 = arith.constant 0 : i32
      %add3A_65 = arith.addi %mul3A_63, %add3A_64 : i32
      %dma_start3A = arith.constant 0 : i32
      %dma_start3A_66 = tpu.memref_slice %arg5[%add3A_65, %dma_start3A] : memref<80x128xi32, #tpu.memory_space<vmem>> -> memref<1x128xi32, #tpu.memory_space<vmem>>
      %dma_start3A_67 = tpu.memref_squeeze %dma_start3A_66 : memref<1x128xi32, #tpu.memory_space<vmem>> -> memref<128xi32, #tpu.memory_space<vmem>>
      %dma_start3A_68 = arith.constant 0 : i32
      %dma_start3A_69 = tpu.memref_slice %arg7[%dma_start3A_68] : memref<10240xf32, #tpu.memory_space<vmem_shared>> -> memref<10240xf32, #tpu.memory_space<vmem_shared>>
      tpu.enqueue_indirect_dma source(%arg6 : memref<128xf32, #tpu.memory_space<vmem>>) target(%dma_start3A_69 : memref<10240xf32, #tpu.memory_space<vmem_shared>>) offsets(%dma_start3A_67 : memref<128xi32, #tpu.memory_space<vmem>>) semaphore(%arg8 : memref<!tpu.dma_semaphore, #tpu.memory_space<semaphore_mem>>) {add = true}
      %mul3A_70 = arith.constant 8 : i32
      %mul3A_71 = arith.muli %scan3A_61, %mul3A_70 : i32
      %add3A_72 = arith.constant 1 : i32
      %add3A_73 = arith.addi %mul3A_71, %add3A_72 : i32
      %dma_start3A_74 = arith.constant 0 : i32
      %dma_start3A_75 = tpu.memref_slice %arg5[%add3A_73, %dma_start3A_74] : memref<80x128xi32, #tpu.memory_space<vmem>> -> memref<1x128xi32, #tpu.memory_space<vmem>>
      %dma_start3A_76 = tpu.memref_squeeze %dma_start3A_75 : memref<1x128xi32, #tpu.memory_space<vmem>> -> memref<128xi32, #tpu.memory_space<vmem>>
      %dma_start3A_77 = arith.constant 0 : i32
      %dma_start3A_78 = tpu.memref_slice %arg7[%dma_start3A_77] : memref<10240xf32, #tpu.memory_space<vmem_shared>> -> memref<10240xf32, #tpu.memory_space<vmem_shared>>
      tpu.enqueue_indirect_dma source(%arg6 : memref<128xf32, #tpu.memory_space<vmem>>) target(%dma_start3A_78 : memref<10240xf32, #tpu.memory_space<vmem_shared>>) offsets(%dma_start3A_76 : memref<128xi32, #tpu.memory_space<vmem>>) semaphore(%arg8 : memref<!tpu.dma_semaphore, #tpu.memory_space<semaphore_mem>>) {add = true}
      %mul3A_79 = arith.constant 8 : i32
      %mul3A_80 = arith.muli %scan3A_61, %mul3A_79 : i32
      %add3A_81 = arith.constant 2 : i32
      %add3A_82 = arith.addi %mul3A_80, %add3A_81 : i32
      %dma_start3A_83 = arith.constant 0 : i32
      %dma_start3A_84 = tpu.memref_slice %arg5[%add3A_82, %dma_start3A_83] : memref<80x128xi32, #tpu.memory_space<vmem>> -> memref<1x128xi32, #tpu.memory_space<vmem>>
      %dma_start3A_85 = tpu.memref_squeeze %dma_start3A_84 : memref<1x128xi32, #tpu.memory_space<vmem>> -> memref<128xi32, #tpu.memory_space<vmem>>
      %dma_start3A_86 = arith.constant 0 : i32
      %dma_start3A_87 = tpu.memref_slice %arg7[%dma_start3A_86] : memref<10240xf32, #tpu.memory_space<vmem_shared>> -> memref<10240xf32, #tpu.memory_space<vmem_shared>>
      tpu.enqueue_indirect_dma source(%arg6 : memref<128xf32, #tpu.memory_space<vmem>>) target(%dma_start3A_87 : memref<10240xf32, #tpu.memory_space<vmem_shared>>) offsets(%dma_start3A_85 : memref<128xi32, #tpu.memory_space<vmem>>) semaphore(%arg8 : memref<!tpu.dma_semaphore, #tpu.memory_space<semaphore_mem>>) {add = true}
      %mul3A_88 = arith.constant 8 : i32
      %mul3A_89 = arith.muli %scan3A_61, %mul3A_88 : i32
      %add3A_90 = arith.constant 3 : i32
      %add3A_91 = arith.addi %mul3A_89, %add3A_90 : i32
      %dma_start3A_92 = arith.constant 0 : i32
      %dma_start3A_93 = tpu.memref_slice %arg5[%add3A_91, %dma_start3A_92] : memref<80x128xi32, #tpu.memory_space<vmem>> -> memref<1x128xi32, #tpu.memory_space<vmem>>
      %dma_start3A_94 = tpu.memref_squeeze %dma_start3A_93 : memref<1x128xi32, #tpu.memory_space<vmem>> -> memref<128xi32, #tpu.memory_space<vmem>>
      %dma_start3A_95 = arith.constant 0 : i32
      %dma_start3A_96 = tpu.memref_slice %arg7[%dma_start3A_95] : memref<10240xf32, #tpu.memory_space<vmem_shared>> -> memref<10240xf32, #tpu.memory_space<vmem_shared>>
      tpu.enqueue_indirect_dma source(%arg6 : memref<128xf32, #tpu.memory_space<vmem>>) target(%dma_start3A_96 : memref<10240xf32, #tpu.memory_space<vmem_shared>>) offsets(%dma_start3A_94 : memref<128xi32, #tpu.memory_space<vmem>>) semaphore(%arg8 : memref<!tpu.dma_semaphore, #tpu.memory_space<semaphore_mem>>) {add = true}
      %mul3A_97 = arith.constant 8 : i32
      %mul3A_98 = arith.muli %scan3A_61, %mul3A_97 : i32
      %add3A_99 = arith.constant 4 : i32
      %add3A_100 = arith.addi %mul3A_98, %add3A_99 : i32
      %dma_start3A_101 = arith.constant 0 : i32
      %dma_start3A_102 = tpu.memref_slice %arg5[%add3A_100, %dma_start3A_101] : memref<80x128xi32, #tpu.memory_space<vmem>> -> memref<1x128xi32, #tpu.memory_space<vmem>>
      %dma_start3A_103 = tpu.memref_squeeze %dma_start3A_102 : memref<1x128xi32, #tpu.memory_space<vmem>> -> memref<128xi32, #tpu.memory_space<vmem>>
      %dma_start3A_104 = arith.constant 0 : i32
      %dma_start3A_105 = tpu.memref_slice %arg7[%dma_start3A_104] : memref<10240xf32, #tpu.memory_space<vmem_shared>> -> memref<10240xf32, #tpu.memory_space<vmem_shared>>
      tpu.enqueue_indirect_dma source(%arg6 : memref<128xf32, #tpu.memory_space<vmem>>) target(%dma_start3A_105 : memref<10240xf32, #tpu.memory_space<vmem_shared>>) offsets(%dma_start3A_103 : memref<128xi32, #tpu.memory_space<vmem>>) semaphore(%arg8 : memref<!tpu.dma_semaphore, #tpu.memory_space<semaphore_mem>>) {add = true}
      %mul3A_106 = arith.constant 8 : i32
      %mul3A_107 = arith.muli %scan3A_61, %mul3A_106 : i32
      %add3A_108 = arith.constant 5 : i32
      %add3A_109 = arith.addi %mul3A_107, %add3A_108 : i32
      %dma_start3A_110 = arith.constant 0 : i32
      %dma_start3A_111 = tpu.memref_slice %arg5[%add3A_109, %dma_start3A_110] : memref<80x128xi32, #tpu.memory_space<vmem>> -> memref<1x128xi32, #tpu.memory_space<vmem>>
      %dma_start3A_112 = tpu.memref_squeeze %dma_start3A_111 : memref<1x128xi32, #tpu.memory_space<vmem>> -> memref<128xi32, #tpu.memory_space<vmem>>
      %dma_start3A_113 = arith.constant 0 : i32
      %dma_start3A_114 = tpu.memref_slice %arg7[%dma_start3A_113] : memref<10240xf32, #tpu.memory_space<vmem_shared>> -> memref<10240xf32, #tpu.memory_space<vmem_shared>>
      tpu.enqueue_indirect_dma source(%arg6 : memref<128xf32, #tpu.memory_space<vmem>>) target(%dma_start3A_114 : memref<10240xf32, #tpu.memory_space<vmem_shared>>) offsets(%dma_start3A_112 : memref<128xi32, #tpu.memory_space<vmem>>) semaphore(%arg8 : memref<!tpu.dma_semaphore, #tpu.memory_space<semaphore_mem>>) {add = true}
      %mul3A_115 = arith.constant 8 : i32
      %mul3A_116 = arith.muli %scan3A_61, %mul3A_115 : i32
      %add3A_117 = arith.constant 6 : i32
      %add3A_118 = arith.addi %mul3A_116, %add3A_117 : i32
      %dma_start3A_119 = arith.constant 0 : i32
      %dma_start3A_120 = tpu.memref_slice %arg5[%add3A_118, %dma_start3A_119] : memref<80x128xi32, #tpu.memory_space<vmem>> -> memref<1x128xi32, #tpu.memory_space<vmem>>
      %dma_start3A_121 = tpu.memref_squeeze %dma_start3A_120 : memref<1x128xi32, #tpu.memory_space<vmem>> -> memref<128xi32, #tpu.memory_space<vmem>>
      %dma_start3A_122 = arith.constant 0 : i32
      %dma_start3A_123 = tpu.memref_slice %arg7[%dma_start3A_122] : memref<10240xf32, #tpu.memory_space<vmem_shared>> -> memref<10240xf32, #tpu.memory_space<vmem_shared>>
      tpu.enqueue_indirect_dma source(%arg6 : memref<128xf32, #tpu.memory_space<vmem>>) target(%dma_start3A_123 : memref<10240xf32, #tpu.memory_space<vmem_shared>>) offsets(%dma_start3A_121 : memref<128xi32, #tpu.memory_space<vmem>>) semaphore(%arg8 : memref<!tpu.dma_semaphore, #tpu.memory_space<semaphore_mem>>) {add = true}
      %mul3A_124 = arith.constant 8 : i32
      %mul3A_125 = arith.muli %scan3A_61, %mul3A_124 : i32
      %add3A_126 = arith.constant 7 : i32
      %add3A_127 = arith.addi %mul3A_125, %add3A_126 : i32
      %dma_start3A_128 = arith.constant 0 : i32
      %dma_start3A_129 = tpu.memref_slice %arg5[%add3A_127, %dma_start3A_128] : memref<80x128xi32, #tpu.memory_space<vmem>> -> memref<1x128xi32, #tpu.memory_space<vmem>>
      %dma_start3A_130 = tpu.memref_squeeze %dma_start3A_129 : memref<1x128xi32, #tpu.memory_space<vmem>> -> memref<128xi32, #tpu.memory_space<vmem>>
      %dma_start3A_131 = arith.constant 0 : i32
      %dma_start3A_132 = tpu.memref_slice %arg7[%dma_start3A_131] : memref<10240xf32, #tpu.memory_space<vmem_shared>> -> memref<10240xf32, #tpu.memory_space<vmem_shared>>
      tpu.enqueue_indirect_dma source(%arg6 : memref<128xf32, #tpu.memory_space<vmem>>) target(%dma_start3A_132 : memref<10240xf32, #tpu.memory_space<vmem_shared>>) offsets(%dma_start3A_130 : memref<128xi32, #tpu.memory_space<vmem>>) semaphore(%arg8 : memref<!tpu.dma_semaphore, #tpu.memory_space<semaphore_mem>>) {add = true}
      %mul3A_133 = arith.constant 8 : i32
      %mul3A_134 = arith.muli %scan3A_61, %mul3A_133 : i32
      %add3A_135 = arith.constant 0 : i32
      %add3A_136 = arith.addi %mul3A_134, %add3A_135 : i32
      %dma_wait3A = arith.constant 0 : i32
      %dma_wait3A_137 = tpu.memref_slice %arg5[%add3A_136, %dma_wait3A] : memref<80x128xi32, #tpu.memory_space<vmem>> -> memref<1x128xi32, #tpu.memory_space<vmem>>
      %dma_wait3A_138 = tpu.memref_squeeze %dma_wait3A_137 : memref<1x128xi32, #tpu.memory_space<vmem>> -> memref<128xi32, #tpu.memory_space<vmem>>
      %dma_wait3A_139 = arith.constant 0 : i32
      %dma_wait3A_140 = tpu.memref_slice %arg7[%dma_wait3A_139] : memref<10240xf32, #tpu.memory_space<vmem_shared>> -> memref<10240xf32, #tpu.memory_space<vmem_shared>>
      tpu.wait_indirect_dma semaphore(%arg8 : memref<!tpu.dma_semaphore, #tpu.memory_space<semaphore_mem>>) src(%arg6 : memref<128xf32, #tpu.memory_space<vmem>>) dst(%dma_wait3A_140 : memref<10240xf32, #tpu.memory_space<vmem_shared>>)
      %mul3A_141 = arith.constant 8 : i32
      %mul3A_142 = arith.muli %scan3A_61, %mul3A_141 : i32
      %add3A_143 = arith.constant 1 : i32
      %add3A_144 = arith.addi %mul3A_142, %add3A_143 : i32
      %dma_wait3A_145 = arith.constant 0 : i32
      %dma_wait3A_146 = tpu.memref_slice %arg5[%add3A_144, %dma_wait3A_145] : memref<80x128xi32, #tpu.memory_space<vmem>> -> memref<1x128xi32, #tpu.memory_space<vmem>>
      %dma_wait3A_147 = tpu.memref_squeeze %dma_wait3A_146 : memref<1x128xi32, #tpu.memory_space<vmem>> -> memref<128xi32, #tpu.memory_space<vmem>>
      %dma_wait3A_148 = arith.constant 0 : i32
      %dma_wait3A_149 = tpu.memref_slice %arg7[%dma_wait3A_148] : memref<10240xf32, #tpu.memory_space<vmem_shared>> -> memref<10240xf32, #tpu.memory_space<vmem_shared>>
      tpu.wait_indirect_dma semaphore(%arg8 : memref<!tpu.dma_semaphore, #tpu.memory_space<semaphore_mem>>) src(%arg6 : memref<128xf32, #tpu.memory_space<vmem>>) dst(%dma_wait3A_149 : memref<10240xf32, #tpu.memory_space<vmem_shared>>)
      %mul3A_150 = arith.constant 8 : i32
      %mul3A_151 = arith.muli %scan3A_61, %mul3A_150 : i32
      %add3A_152 = arith.constant 2 : i32
      %add3A_153 = arith.addi %mul3A_151, %add3A_152 : i32
      %dma_wait3A_154 = arith.constant 0 : i32
      %dma_wait3A_155 = tpu.memref_slice %arg5[%add3A_153, %dma_wait3A_154] : memref<80x128xi32, #tpu.memory_space<vmem>> -> memref<1x128xi32, #tpu.memory_space<vmem>>
      %dma_wait3A_156 = tpu.memref_squeeze %dma_wait3A_155 : memref<1x128xi32, #tpu.memory_space<vmem>> -> memref<128xi32, #tpu.memory_space<vmem>>
      %dma_wait3A_157 = arith.constant 0 : i32
      %dma_wait3A_158 = tpu.memref_slice %arg7[%dma_wait3A_157] : memref<10240xf32, #tpu.memory_space<vmem_shared>> -> memref<10240xf32, #tpu.memory_space<vmem_shared>>
      tpu.wait_indirect_dma semaphore(%arg8 : memref<!tpu.dma_semaphore, #tpu.memory_space<semaphore_mem>>) src(%arg6 : memref<128xf32, #tpu.memory_space<vmem>>) dst(%dma_wait3A_158 : memref<10240xf32, #tpu.memory_space<vmem_shared>>)
      %mul3A_159 = arith.constant 8 : i32
      %mul3A_160 = arith.muli %scan3A_61, %mul3A_159 : i32
      %add3A_161 = arith.constant 3 : i32
      %add3A_162 = arith.addi %mul3A_160, %add3A_161 : i32
      %dma_wait3A_163 = arith.constant 0 : i32
      %dma_wait3A_164 = tpu.memref_slice %arg5[%add3A_162, %dma_wait3A_163] : memref<80x128xi32, #tpu.memory_space<vmem>> -> memref<1x128xi32, #tpu.memory_space<vmem>>
      %dma_wait3A_165 = tpu.memref_squeeze %dma_wait3A_164 : memref<1x128xi32, #tpu.memory_space<vmem>> -> memref<128xi32, #tpu.memory_space<vmem>>
      %dma_wait3A_166 = arith.constant 0 : i32
      %dma_wait3A_167 = tpu.memref_slice %arg7[%dma_wait3A_166] : memref<10240xf32, #tpu.memory_space<vmem_shared>> -> memref<10240xf32, #tpu.memory_space<vmem_shared>>
      tpu.wait_indirect_dma semaphore(%arg8 : memref<!tpu.dma_semaphore, #tpu.memory_space<semaphore_mem>>) src(%arg6 : memref<128xf32, #tpu.memory_space<vmem>>) dst(%dma_wait3A_167 : memref<10240xf32, #tpu.memory_space<vmem_shared>>)
      %mul3A_168 = arith.constant 8 : i32
      %mul3A_169 = arith.muli %scan3A_61, %mul3A_168 : i32
      %add3A_170 = arith.constant 4 : i32
      %add3A_171 = arith.addi %mul3A_169, %add3A_170 : i32
      %dma_wait3A_172 = arith.constant 0 : i32
      %dma_wait3A_173 = tpu.memref_slice %arg5[%add3A_171, %dma_wait3A_172] : memref<80x128xi32, #tpu.memory_space<vmem>> -> memref<1x128xi32, #tpu.memory_space<vmem>>
      %dma_wait3A_174 = tpu.memref_squeeze %dma_wait3A_173 : memref<1x128xi32, #tpu.memory_space<vmem>> -> memref<128xi32, #tpu.memory_space<vmem>>
      %dma_wait3A_175 = arith.constant 0 : i32
      %dma_wait3A_176 = tpu.memref_slice %arg7[%dma_wait3A_175] : memref<10240xf32, #tpu.memory_space<vmem_shared>> -> memref<10240xf32, #tpu.memory_space<vmem_shared>>
      tpu.wait_indirect_dma semaphore(%arg8 : memref<!tpu.dma_semaphore, #tpu.memory_space<semaphore_mem>>) src(%arg6 : memref<128xf32, #tpu.memory_space<vmem>>) dst(%dma_wait3A_176 : memref<10240xf32, #tpu.memory_space<vmem_shared>>)
      %mul3A_177 = arith.constant 8 : i32
      %mul3A_178 = arith.muli %scan3A_61, %mul3A_177 : i32
      %add3A_179 = arith.constant 5 : i32
      %add3A_180 = arith.addi %mul3A_178, %add3A_179 : i32
      %dma_wait3A_181 = arith.constant 0 : i32
      %dma_wait3A_182 = tpu.memref_slice %arg5[%add3A_180, %dma_wait3A_181] : memref<80x128xi32, #tpu.memory_space<vmem>> -> memref<1x128xi32, #tpu.memory_space<vmem>>
      %dma_wait3A_183 = tpu.memref_squeeze %dma_wait3A_182 : memref<1x128xi32, #tpu.memory_space<vmem>> -> memref<128xi32, #tpu.memory_space<vmem>>
      %dma_wait3A_184 = arith.constant 0 : i32
      %dma_wait3A_185 = tpu.memref_slice %arg7[%dma_wait3A_184] : memref<10240xf32, #tpu.memory_space<vmem_shared>> -> memref<10240xf32, #tpu.memory_space<vmem_shared>>
      tpu.wait_indirect_dma semaphore(%arg8 : memref<!tpu.dma_semaphore, #tpu.memory_space<semaphore_mem>>) src(%arg6 : memref<128xf32, #tpu.memory_space<vmem>>) dst(%dma_wait3A_185 : memref<10240xf32, #tpu.memory_space<vmem_shared>>)
      %mul3A_186 = arith.constant 8 : i32
      %mul3A_187 = arith.muli %scan3A_61, %mul3A_186 : i32
      %add3A_188 = arith.constant 6 : i32
      %add3A_189 = arith.addi %mul3A_187, %add3A_188 : i32
      %dma_wait3A_190 = arith.constant 0 : i32
      %dma_wait3A_191 = tpu.memref_slice %arg5[%add3A_189, %dma_wait3A_190] : memref<80x128xi32, #tpu.memory_space<vmem>> -> memref<1x128xi32, #tpu.memory_space<vmem>>
      %dma_wait3A_192 = tpu.memref_squeeze %dma_wait3A_191 : memref<1x128xi32, #tpu.memory_space<vmem>> -> memref<128xi32, #tpu.memory_space<vmem>>
      %dma_wait3A_193 = arith.constant 0 : i32
      %dma_wait3A_194 = tpu.memref_slice %arg7[%dma_wait3A_193] : memref<10240xf32, #tpu.memory_space<vmem_shared>> -> memref<10240xf32, #tpu.memory_space<vmem_shared>>
      tpu.wait_indirect_dma semaphore(%arg8 : memref<!tpu.dma_semaphore, #tpu.memory_space<semaphore_mem>>) src(%arg6 : memref<128xf32, #tpu.memory_space<vmem>>) dst(%dma_wait3A_194 : memref<10240xf32, #tpu.memory_space<vmem_shared>>)
      %mul3A_195 = arith.constant 8 : i32
      %mul3A_196 = arith.muli %scan3A_61, %mul3A_195 : i32
      %add3A_197 = arith.constant 7 : i32
      %add3A_198 = arith.addi %mul3A_196, %add3A_197 : i32
      %dma_wait3A_199 = arith.constant 0 : i32
      %dma_wait3A_200 = tpu.memref_slice %arg5[%add3A_198, %dma_wait3A_199] : memref<80x128xi32, #tpu.memory_space<vmem>> -> memref<1x128xi32, #tpu.memory_space<vmem>>
      %dma_wait3A_201 = tpu.memref_squeeze %dma_wait3A_200 : memref<1x128xi32, #tpu.memory_space<vmem>> -> memref<128xi32, #tpu.memory_space<vmem>>
      %dma_wait3A_202 = arith.constant 0 : i32
      %dma_wait3A_203 = tpu.memref_slice %arg7[%dma_wait3A_202] : memref<10240xf32, #tpu.memory_space<vmem_shared>> -> memref<10240xf32, #tpu.memory_space<vmem_shared>>
      tpu.wait_indirect_dma semaphore(%arg8 : memref<!tpu.dma_semaphore, #tpu.memory_space<semaphore_mem>>) src(%arg6 : memref<128xf32, #tpu.memory_space<vmem>>) dst(%dma_wait3A_203 : memref<10240xf32, #tpu.memory_space<vmem_shared>>)
    }
    %scan3A_55 = arith.constant 10 : i32
    %barrier3A_56 = arith.constant 0 : index
    tpu.barrier barrier_id(%barrier3A_56)
    %mul3A_57 = arith.constant 640 : i32
    %mul3A_58 = arith.muli %arg1, %mul3A_57 : i32
    %mul3A_59 = arith.constant 640 : i32
    %mul3A_60 = arith.muli %arg1, %mul3A_59 : i32
    "tpu.region"() ({
      %run_scoped3A = tpu.sem_alloc : memref<!tpu.dma_semaphore, #tpu.memory_space<semaphore_mem>>
      %dma_start3A = tpu.memref_slice %arg4[%arg0, %mul3A_60] : memref<2x10240xf32, #tpu.memory_space<hbm>> -> memref<1x640xf32, #tpu.memory_space<hbm>>
      %dma_start3A_61 = tpu.memref_squeeze %dma_start3A : memref<1x640xf32, #tpu.memory_space<hbm>> -> memref<640xf32, #tpu.memory_space<hbm>>
      %dma_start3A_62 = tpu.memref_slice %arg7[%mul3A_58] : memref<10240xf32, #tpu.memory_space<vmem_shared>> -> memref<640xf32, #tpu.memory_space<vmem_shared>>
      tpu.enqueue_dma source(%dma_start3A_62 : memref<640xf32, #tpu.memory_space<vmem_shared>>) target(%dma_start3A_61 : memref<640xf32, #tpu.memory_space<hbm>>) target_semaphore(%run_scoped3A : memref<!tpu.dma_semaphore, #tpu.memory_space<semaphore_mem>>)
      %dma_wait3A = tpu.memref_slice %arg4[%arg0, %mul3A_60] : memref<2x10240xf32, #tpu.memory_space<hbm>> -> memref<1x640xf32, #tpu.memory_space<hbm>>
      %dma_wait3A_63 = tpu.memref_squeeze %dma_wait3A : memref<1x640xf32, #tpu.memory_space<hbm>> -> memref<640xf32, #tpu.memory_space<hbm>>
      %dma_wait3A_64 = tpu.memref_slice %arg7[%mul3A_58] : memref<10240xf32, #tpu.memory_space<vmem_shared>> -> memref<640xf32, #tpu.memory_space<vmem_shared>>
      tpu.wait_dma2 semaphore(%run_scoped3A : memref<!tpu.dma_semaphore, #tpu.memory_space<semaphore_mem>>) src(%dma_wait3A_64 : memref<640xf32, #tpu.memory_space<vmem_shared>>) dst(%dma_wait3A_63 : memref<640xf32, #tpu.memory_space<hbm>>)
      tpu.yield
    }) : () -> ()
    return
  }
}

#map = affine_map<(d0, d1) -> (0, 0)>
#map1 = affine_map<(d0, d1) -> (0, 0, 0)>
module attributes {stable_mosaic.version = 14 : i64} {
  func.func @_agg_kernel(%arg0: i32, %arg1: i32, %arg2: memref<10000x128xf32, #tpu.memory_space<hbm>>, %arg3: memref<32x80x128xi32, #tpu.memory_space<hbm>>, %arg4: memref<32x80x128xi32, #tpu.memory_space<hbm>>, %arg5: memref<640x128xf32, #tpu.memory_space<hbm>>, %arg6: memref<2x10240x128xf32, #tpu.memory_space<hbm>>, %arg7: memref<40x128xi32, #tpu.memory_space<vmem>>, %arg8: memref<40x128xi32, #tpu.memory_space<vmem>>, %arg9: memref<256x128xf32, #tpu.memory_space<vmem>>, %arg10: memref<10240x128xf32, #tpu.memory_space<vmem_shared>>, %arg11: memref<!tpu.dma_semaphore, #tpu.memory_space<semaphore_mem>>, %arg12: memref<!tpu.dma_semaphore, #tpu.memory_space<semaphore_mem>>, %arg13: memref<!tpu.dma_semaphore, #tpu.memory_space<semaphore_mem>>, %arg14: memref<!tpu.dma_semaphore, #tpu.memory_space<semaphore_mem>>) attributes {dimension_semantics = [#tpu.dimension_semantics<core_parallel>, #tpu.dimension_semantics<subcore_parallel>], iteration_bounds = array<i64: 2, 16>, scalar_prefetch = 0 : i64, scratch_operands = 8 : i64, tpu.core_type = #tpu.core_type<sc_vector_subcore>, window_params = [{transform_indices = #map}, {transform_indices = #map1}, {transform_indices = #map1}, {transform_indices = #map}, {transform_indices = #map1}]} {
    %mul3A = arith.constant 16 : i32
    %mul3A_0 = arith.muli %arg0, %mul3A : i32
    %add3A = arith.addi %mul3A_0, %arg1 : i32
    %mul3A_1 = arith.constant 640 : i32
    %mul3A_2 = arith.muli %arg1, %mul3A_1 : i32
    "tpu.region"() ({
      %run_scoped3A = tpu.sem_alloc : memref<!tpu.dma_semaphore, #tpu.memory_space<semaphore_mem>>
      %dma_start3A = arith.constant 0 : i32
      %dma_start3A_13 = tpu.memref_slice %arg10[%mul3A_2, %dma_start3A] : memref<10240x128xf32, #tpu.memory_space<vmem_shared>> -> memref<640x128xf32, #tpu.memory_space<vmem_shared>>
      tpu.enqueue_dma source(%arg5 : memref<640x128xf32, #tpu.memory_space<hbm>>) target(%dma_start3A_13 : memref<640x128xf32, #tpu.memory_space<vmem_shared>>) target_semaphore(%run_scoped3A : memref<!tpu.dma_semaphore, #tpu.memory_space<semaphore_mem>>)
      %dma_wait3A = arith.constant 0 : i32
      %dma_wait3A_14 = tpu.memref_slice %arg10[%mul3A_2, %dma_wait3A] : memref<10240x128xf32, #tpu.memory_space<vmem_shared>> -> memref<640x128xf32, #tpu.memory_space<vmem_shared>>
      tpu.wait_dma2 semaphore(%run_scoped3A : memref<!tpu.dma_semaphore, #tpu.memory_space<semaphore_mem>>) src(%arg5 : memref<640x128xf32, #tpu.memory_space<hbm>>) dst(%dma_wait3A_14 : memref<640x128xf32, #tpu.memory_space<vmem_shared>>)
      tpu.yield
    }) : () -> ()
    %barrier3A = arith.constant 0 : index
    tpu.barrier barrier_id(%barrier3A)
    %scan3A = arith.constant 0 : i32
    %scan3A_3 = arith.constant 0 : i32
    %scan3A_4 = arith.constant 2 : i32
    %scan3A_5 = arith.addi %scan3A_3, %scan3A_4 : i32
    %scan3A_6 = arith.constant 1 : i32
    scf.for %scan3A_13 = %scan3A_3 to %scan3A_5 step %scan3A_6  : i32 {
      %mul3A_14 = arith.constant 40 : i32
      %mul3A_15 = arith.muli %scan3A_13, %mul3A_14 : i32
      "tpu.region"() ({
        %run_scoped3A = tpu.sem_alloc : memref<!tpu.dma_semaphore, #tpu.memory_space<semaphore_mem>>
        %dma_start3A_61 = arith.constant 0 : i32
        %dma_start3A_62 = tpu.memref_slice %arg3[%add3A, %mul3A_15, %dma_start3A_61] : memref<32x80x128xi32, #tpu.memory_space<hbm>> -> memref<1x40x128xi32, #tpu.memory_space<hbm>>
        %dma_start3A_63 = tpu.memref_squeeze %dma_start3A_62 : memref<1x40x128xi32, #tpu.memory_space<hbm>> -> memref<40x128xi32, #tpu.memory_space<hbm>>
        %dma_start3A_64 = arith.constant 0 : i32
        %dma_start3A_65 = tpu.memref_slice %arg3[%add3A, %mul3A_15, %dma_start3A_64] : memref<32x80x128xi32, #tpu.memory_space<hbm>> -> memref<1x40x128xi32, #tpu.memory_space<hbm>>
        %dma_start3A_66 = tpu.memref_squeeze %dma_start3A_65 : memref<1x40x128xi32, #tpu.memory_space<hbm>> -> memref<40x128xi32, #tpu.memory_space<hbm>>
        tpu.enqueue_dma source(%dma_start3A_66 : memref<40x128xi32, #tpu.memory_space<hbm>>) target(%arg7 : memref<40x128xi32, #tpu.memory_space<vmem>>) target_semaphore(%run_scoped3A : memref<!tpu.dma_semaphore, #tpu.memory_space<semaphore_mem>>)
        %dma_wait3A_67 = arith.constant 0 : i32
        %dma_wait3A_68 = tpu.memref_slice %arg3[%add3A, %mul3A_15, %dma_wait3A_67] : memref<32x80x128xi32, #tpu.memory_space<hbm>> -> memref<1x40x128xi32, #tpu.memory_space<hbm>>
        %dma_wait3A_69 = tpu.memref_squeeze %dma_wait3A_68 : memref<1x40x128xi32, #tpu.memory_space<hbm>> -> memref<40x128xi32, #tpu.memory_space<hbm>>
        %dma_wait3A_70 = arith.constant 0 : i32
        %dma_wait3A_71 = tpu.memref_slice %arg3[%add3A, %mul3A_15, %dma_wait3A_70] : memref<32x80x128xi32, #tpu.memory_space<hbm>> -> memref<1x40x128xi32, #tpu.memory_space<hbm>>
        %dma_wait3A_72 = tpu.memref_squeeze %dma_wait3A_71 : memref<1x40x128xi32, #tpu.memory_space<hbm>> -> memref<40x128xi32, #tpu.memory_space<hbm>>
        tpu.wait_dma2 semaphore(%run_scoped3A : memref<!tpu.dma_semaphore, #tpu.memory_space<semaphore_mem>>) src(%dma_wait3A_72 : memref<40x128xi32, #tpu.memory_space<hbm>>) dst(%arg7 : memref<40x128xi32, #tpu.memory_space<vmem>>)
        tpu.yield
      }) : () -> ()
      %mul3A_16 = arith.constant 40 : i32
      %mul3A_17 = arith.muli %scan3A_13, %mul3A_16 : i32
      "tpu.region"() ({
        %run_scoped3A = tpu.sem_alloc : memref<!tpu.dma_semaphore, #tpu.memory_space<semaphore_mem>>
        %dma_start3A_61 = arith.constant 0 : i32
        %dma_start3A_62 = tpu.memref_slice %arg4[%add3A, %mul3A_17, %dma_start3A_61] : memref<32x80x128xi32, #tpu.memory_space<hbm>> -> memref<1x40x128xi32, #tpu.memory_space<hbm>>
        %dma_start3A_63 = tpu.memref_squeeze %dma_start3A_62 : memref<1x40x128xi32, #tpu.memory_space<hbm>> -> memref<40x128xi32, #tpu.memory_space<hbm>>
        %dma_start3A_64 = arith.constant 0 : i32
        %dma_start3A_65 = tpu.memref_slice %arg4[%add3A, %mul3A_17, %dma_start3A_64] : memref<32x80x128xi32, #tpu.memory_space<hbm>> -> memref<1x40x128xi32, #tpu.memory_space<hbm>>
        %dma_start3A_66 = tpu.memref_squeeze %dma_start3A_65 : memref<1x40x128xi32, #tpu.memory_space<hbm>> -> memref<40x128xi32, #tpu.memory_space<hbm>>
        tpu.enqueue_dma source(%dma_start3A_66 : memref<40x128xi32, #tpu.memory_space<hbm>>) target(%arg8 : memref<40x128xi32, #tpu.memory_space<vmem>>) target_semaphore(%run_scoped3A : memref<!tpu.dma_semaphore, #tpu.memory_space<semaphore_mem>>)
        %dma_wait3A_67 = arith.constant 0 : i32
        %dma_wait3A_68 = tpu.memref_slice %arg4[%add3A, %mul3A_17, %dma_wait3A_67] : memref<32x80x128xi32, #tpu.memory_space<hbm>> -> memref<1x40x128xi32, #tpu.memory_space<hbm>>
        %dma_wait3A_69 = tpu.memref_squeeze %dma_wait3A_68 : memref<1x40x128xi32, #tpu.memory_space<hbm>> -> memref<40x128xi32, #tpu.memory_space<hbm>>
        %dma_wait3A_70 = arith.constant 0 : i32
        %dma_wait3A_71 = tpu.memref_slice %arg4[%add3A, %mul3A_17, %dma_wait3A_70] : memref<32x80x128xi32, #tpu.memory_space<hbm>> -> memref<1x40x128xi32, #tpu.memory_space<hbm>>
        %dma_wait3A_72 = tpu.memref_squeeze %dma_wait3A_71 : memref<1x40x128xi32, #tpu.memory_space<hbm>> -> memref<40x128xi32, #tpu.memory_space<hbm>>
        tpu.wait_dma2 semaphore(%run_scoped3A : memref<!tpu.dma_semaphore, #tpu.memory_space<semaphore_mem>>) src(%dma_wait3A_72 : memref<40x128xi32, #tpu.memory_space<hbm>>) dst(%arg8 : memref<40x128xi32, #tpu.memory_space<vmem>>)
        tpu.yield
      }) : () -> ()
      %dma_start3A = arith.constant 0 : i32
      %dma_start3A_18 = arith.constant 0 : i32
      %dma_start3A_19 = arith.constant 0 : i32
      %dma_start3A_20 = tpu.memref_slice %arg9[%dma_start3A_18, %dma_start3A_19] : memref<256x128xf32, #tpu.memory_space<vmem>> -> memref<128x128xf32, #tpu.memory_space<vmem>>
      %dma_start3A_21 = arith.constant 0 : i32
      %dma_start3A_22 = tpu.memref_slice %arg7[%dma_start3A, %dma_start3A_21] : memref<40x128xi32, #tpu.memory_space<vmem>> -> memref<1x128xi32, #tpu.memory_space<vmem>>
      %dma_start3A_23 = tpu.memref_squeeze %dma_start3A_22 : memref<1x128xi32, #tpu.memory_space<vmem>> -> memref<128xi32, #tpu.memory_space<vmem>>
      %dma_start3A_24 = arith.constant 0 : i32
      %dma_start3A_25 = arith.constant 0 : i32
      %dma_start3A_26 = tpu.memref_slice %arg2[%dma_start3A_24, %dma_start3A_25] : memref<10000x128xf32, #tpu.memory_space<hbm>> -> memref<10000x128xf32, #tpu.memory_space<hbm>>
      tpu.enqueue_indirect_dma source(%dma_start3A_26 : memref<10000x128xf32, #tpu.memory_space<hbm>>) target(%dma_start3A_20 : memref<128x128xf32, #tpu.memory_space<vmem>>) offsets(%dma_start3A_23 : memref<128xi32, #tpu.memory_space<vmem>>) semaphore(%arg11 : memref<!tpu.dma_semaphore, #tpu.memory_space<semaphore_mem>>)
      %dma_start3A_27 = arith.constant 1 : i32
      %dma_start3A_28 = arith.constant 128 : i32
      %dma_start3A_29 = arith.constant 0 : i32
      %dma_start3A_30 = tpu.memref_slice %arg9[%dma_start3A_28, %dma_start3A_29] : memref<256x128xf32, #tpu.memory_space<vmem>> -> memref<128x128xf32, #tpu.memory_space<vmem>>
      %dma_start3A_31 = arith.constant 0 : i32
      %dma_start3A_32 = tpu.memref_slice %arg7[%dma_start3A_27, %dma_start3A_31] : memref<40x128xi32, #tpu.memory_space<vmem>> -> memref<1x128xi32, #tpu.memory_space<vmem>>
      %dma_start3A_33 = tpu.memref_squeeze %dma_start3A_32 : memref<1x128xi32, #tpu.memory_space<vmem>> -> memref<128xi32, #tpu.memory_space<vmem>>
      %dma_start3A_34 = arith.constant 0 : i32
      %dma_start3A_35 = arith.constant 0 : i32
      %dma_start3A_36 = tpu.memref_slice %arg2[%dma_start3A_34, %dma_start3A_35] : memref<10000x128xf32, #tpu.memory_space<hbm>> -> memref<10000x128xf32, #tpu.memory_space<hbm>>
      tpu.enqueue_indirect_dma source(%dma_start3A_36 : memref<10000x128xf32, #tpu.memory_space<hbm>>) target(%dma_start3A_30 : memref<128x128xf32, #tpu.memory_space<vmem>>) offsets(%dma_start3A_33 : memref<128xi32, #tpu.memory_space<vmem>>) semaphore(%arg12 : memref<!tpu.dma_semaphore, #tpu.memory_space<semaphore_mem>>)
      %scan3A_37 = arith.constant 0 : i32
      %scan3A_38 = arith.constant 20 : i32
      %scan3A_39 = arith.addi %scan3A_37, %scan3A_38 : i32
      %scan3A_40 = arith.constant 1 : i32
      scf.for %scan3A_61 = %scan3A_37 to %scan3A_39 step %scan3A_40  : i32 {
        %mul3A_62 = arith.constant 2 : i32
        %mul3A_63 = arith.muli %mul3A_62, %scan3A_61 : i32
        %add3A_64 = arith.constant 0 : i32
        %add3A_65 = arith.addi %mul3A_63, %add3A_64 : i32
        %dma_wait3A_66 = arith.constant 0 : i32
        %dma_wait3A_67 = arith.constant 0 : i32
        %dma_wait3A_68 = tpu.memref_slice %arg9[%dma_wait3A_66, %dma_wait3A_67] : memref<256x128xf32, #tpu.memory_space<vmem>> -> memref<128x128xf32, #tpu.memory_space<vmem>>
        %dma_wait3A_69 = arith.constant 0 : i32
        %dma_wait3A_70 = tpu.memref_slice %arg7[%add3A_65, %dma_wait3A_69] : memref<40x128xi32, #tpu.memory_space<vmem>> -> memref<1x128xi32, #tpu.memory_space<vmem>>
        %dma_wait3A_71 = tpu.memref_squeeze %dma_wait3A_70 : memref<1x128xi32, #tpu.memory_space<vmem>> -> memref<128xi32, #tpu.memory_space<vmem>>
        %dma_wait3A_72 = arith.constant 0 : i32
        %dma_wait3A_73 = arith.constant 0 : i32
        %dma_wait3A_74 = tpu.memref_slice %arg2[%dma_wait3A_72, %dma_wait3A_73] : memref<10000x128xf32, #tpu.memory_space<hbm>> -> memref<10000x128xf32, #tpu.memory_space<hbm>>
        tpu.wait_indirect_dma semaphore(%arg11 : memref<!tpu.dma_semaphore, #tpu.memory_space<semaphore_mem>>) src(%dma_wait3A_74 : memref<10000x128xf32, #tpu.memory_space<hbm>>) dst(%dma_wait3A_68 : memref<128x128xf32, #tpu.memory_space<vmem>>)
        %dma_start3A_75 = arith.constant 0 : i32
        %dma_start3A_76 = arith.constant 0 : i32
        %dma_start3A_77 = tpu.memref_slice %arg9[%dma_start3A_75, %dma_start3A_76] : memref<256x128xf32, #tpu.memory_space<vmem>> -> memref<128x128xf32, #tpu.memory_space<vmem>>
        %dma_start3A_78 = arith.constant 0 : i32
        %dma_start3A_79 = tpu.memref_slice %arg8[%add3A_65, %dma_start3A_78] : memref<40x128xi32, #tpu.memory_space<vmem>> -> memref<1x128xi32, #tpu.memory_space<vmem>>
        %dma_start3A_80 = tpu.memref_squeeze %dma_start3A_79 : memref<1x128xi32, #tpu.memory_space<vmem>> -> memref<128xi32, #tpu.memory_space<vmem>>
        %dma_start3A_81 = arith.constant 0 : i32
        %dma_start3A_82 = arith.constant 0 : i32
        %dma_start3A_83 = tpu.memref_slice %arg10[%dma_start3A_81, %dma_start3A_82] : memref<10240x128xf32, #tpu.memory_space<vmem_shared>> -> memref<10240x128xf32, #tpu.memory_space<vmem_shared>>
        tpu.enqueue_indirect_dma source(%dma_start3A_77 : memref<128x128xf32, #tpu.memory_space<vmem>>) target(%dma_start3A_83 : memref<10240x128xf32, #tpu.memory_space<vmem_shared>>) offsets(%dma_start3A_80 : memref<128xi32, #tpu.memory_space<vmem>>) semaphore(%arg13 : memref<!tpu.dma_semaphore, #tpu.memory_space<semaphore_mem>>) {add = true}
        %add3A_84 = arith.constant 2 : i32
        %add3A_85 = arith.addi %add3A_65, %add3A_84 : i32
        %lt3A = arith.constant 40 : i32
        %lt3A_86 = arith.cmpi slt, %add3A_85, %lt3A : i32
        %convert_element_type3A = arith.extui %lt3A_86 : i1 to i32
        %cond3A = arith.constant 0 : i32
        %cond3A_87 = arith.cmpi ne, %convert_element_type3A, %cond3A : i32
        scf.if %cond3A_87 {
          %dma_wait3A_117 = arith.constant 0 : i32
          %dma_wait3A_118 = arith.constant 0 : i32
          %dma_wait3A_119 = tpu.memref_slice %arg9[%dma_wait3A_117, %dma_wait3A_118] : memref<256x128xf32, #tpu.memory_space<vmem>> -> memref<128x128xf32, #tpu.memory_space<vmem>>
          %dma_wait3A_120 = arith.constant 0 : i32
          %dma_wait3A_121 = tpu.memref_slice %arg8[%add3A_65, %dma_wait3A_120] : memref<40x128xi32, #tpu.memory_space<vmem>> -> memref<1x128xi32, #tpu.memory_space<vmem>>
          %dma_wait3A_122 = tpu.memref_squeeze %dma_wait3A_121 : memref<1x128xi32, #tpu.memory_space<vmem>> -> memref<128xi32, #tpu.memory_space<vmem>>
          %dma_wait3A_123 = arith.constant 0 : i32
          %dma_wait3A_124 = arith.constant 0 : i32
          %dma_wait3A_125 = tpu.memref_slice %arg10[%dma_wait3A_123, %dma_wait3A_124] : memref<10240x128xf32, #tpu.memory_space<vmem_shared>> -> memref<10240x128xf32, #tpu.memory_space<vmem_shared>>
          tpu.wait_indirect_dma semaphore(%arg13 : memref<!tpu.dma_semaphore, #tpu.memory_space<semaphore_mem>>) src(%dma_wait3A_119 : memref<128x128xf32, #tpu.memory_space<vmem>>) dst(%dma_wait3A_125 : memref<10240x128xf32, #tpu.memory_space<vmem_shared>>)
          %add3A_126 = arith.constant 2 : i32
          %add3A_127 = arith.addi %add3A_65, %add3A_126 : i32
          %dma_start3A_128 = arith.constant 0 : i32
          %dma_start3A_129 = arith.constant 0 : i32
          %dma_start3A_130 = tpu.memref_slice %arg9[%dma_start3A_128, %dma_start3A_129] : memref<256x128xf32, #tpu.memory_space<vmem>> -> memref<128x128xf32, #tpu.memory_space<vmem>>
          %dma_start3A_131 = arith.constant 0 : i32
          %dma_start3A_132 = tpu.memref_slice %arg7[%add3A_127, %dma_start3A_131] : memref<40x128xi32, #tpu.memory_space<vmem>> -> memref<1x128xi32, #tpu.memory_space<vmem>>
          %dma_start3A_133 = tpu.memref_squeeze %dma_start3A_132 : memref<1x128xi32, #tpu.memory_space<vmem>> -> memref<128xi32, #tpu.memory_space<vmem>>
          %dma_start3A_134 = arith.constant 0 : i32
          %dma_start3A_135 = arith.constant 0 : i32
          %dma_start3A_136 = tpu.memref_slice %arg2[%dma_start3A_134, %dma_start3A_135] : memref<10000x128xf32, #tpu.memory_space<hbm>> -> memref<10000x128xf32, #tpu.memory_space<hbm>>
          tpu.enqueue_indirect_dma source(%dma_start3A_136 : memref<10000x128xf32, #tpu.memory_space<hbm>>) target(%dma_start3A_130 : memref<128x128xf32, #tpu.memory_space<vmem>>) offsets(%dma_start3A_133 : memref<128xi32, #tpu.memory_space<vmem>>) semaphore(%arg11 : memref<!tpu.dma_semaphore, #tpu.memory_space<semaphore_mem>>)
        } else {
        }
        %mul3A_88 = arith.constant 2 : i32
        %mul3A_89 = arith.muli %mul3A_88, %scan3A_61 : i32
        %add3A_90 = arith.constant 1 : i32
        %add3A_91 = arith.addi %mul3A_89, %add3A_90 : i32
        %dma_wait3A_92 = arith.constant 128 : i32
        %dma_wait3A_93 = arith.constant 0 : i32
        %dma_wait3A_94 = tpu.memref_slice %arg9[%dma_wait3A_92, %dma_wait3A_93] : memref<256x128xf32, #tpu.memory_space<vmem>> -> memref<128x128xf32, #tpu.memory_space<vmem>>
        %dma_wait3A_95 = arith.constant 0 : i32
        %dma_wait3A_96 = tpu.memref_slice %arg7[%add3A_91, %dma_wait3A_95] : memref<40x128xi32, #tpu.memory_space<vmem>> -> memref<1x128xi32, #tpu.memory_space<vmem>>
        %dma_wait3A_97 = tpu.memref_squeeze %dma_wait3A_96 : memref<1x128xi32, #tpu.memory_space<vmem>> -> memref<128xi32, #tpu.memory_space<vmem>>
        %dma_wait3A_98 = arith.constant 0 : i32
        %dma_wait3A_99 = arith.constant 0 : i32
        %dma_wait3A_100 = tpu.memref_slice %arg2[%dma_wait3A_98, %dma_wait3A_99] : memref<10000x128xf32, #tpu.memory_space<hbm>> -> memref<10000x128xf32, #tpu.memory_space<hbm>>
        tpu.wait_indirect_dma semaphore(%arg12 : memref<!tpu.dma_semaphore, #tpu.memory_space<semaphore_mem>>) src(%dma_wait3A_100 : memref<10000x128xf32, #tpu.memory_space<hbm>>) dst(%dma_wait3A_94 : memref<128x128xf32, #tpu.memory_space<vmem>>)
        %dma_start3A_101 = arith.constant 128 : i32
        %dma_start3A_102 = arith.constant 0 : i32
        %dma_start3A_103 = tpu.memref_slice %arg9[%dma_start3A_101, %dma_start3A_102] : memref<256x128xf32, #tpu.memory_space<vmem>> -> memref<128x128xf32, #tpu.memory_space<vmem>>
        %dma_start3A_104 = arith.constant 0 : i32
        %dma_start3A_105 = tpu.memref_slice %arg8[%add3A_91, %dma_start3A_104] : memref<40x128xi32, #tpu.memory_space<vmem>> -> memref<1x128xi32, #tpu.memory_space<vmem>>
        %dma_start3A_106 = tpu.memref_squeeze %dma_start3A_105 : memref<1x128xi32, #tpu.memory_space<vmem>> -> memref<128xi32, #tpu.memory_space<vmem>>
        %dma_start3A_107 = arith.constant 0 : i32
        %dma_start3A_108 = arith.constant 0 : i32
        %dma_start3A_109 = tpu.memref_slice %arg10[%dma_start3A_107, %dma_start3A_108] : memref<10240x128xf32, #tpu.memory_space<vmem_shared>> -> memref<10240x128xf32, #tpu.memory_space<vmem_shared>>
        tpu.enqueue_indirect_dma source(%dma_start3A_103 : memref<128x128xf32, #tpu.memory_space<vmem>>) target(%dma_start3A_109 : memref<10240x128xf32, #tpu.memory_space<vmem_shared>>) offsets(%dma_start3A_106 : memref<128xi32, #tpu.memory_space<vmem>>) semaphore(%arg14 : memref<!tpu.dma_semaphore, #tpu.memory_space<semaphore_mem>>) {add = true}
        %add3A_110 = arith.constant 2 : i32
        %add3A_111 = arith.addi %add3A_91, %add3A_110 : i32
        %lt3A_112 = arith.constant 40 : i32
        %lt3A_113 = arith.cmpi slt, %add3A_111, %lt3A_112 : i32
        %convert_element_type3A_114 = arith.extui %lt3A_113 : i1 to i32
        %cond3A_115 = arith.constant 0 : i32
        %cond3A_116 = arith.cmpi ne, %convert_element_type3A_114, %cond3A_115 : i32
        scf.if %cond3A_116 {
          %dma_wait3A_117 = arith.constant 128 : i32
          %dma_wait3A_118 = arith.constant 0 : i32
          %dma_wait3A_119 = tpu.memref_slice %arg9[%dma_wait3A_117, %dma_wait3A_118] : memref<256x128xf32, #tpu.memory_space<vmem>> -> memref<128x128xf32, #tpu.memory_space<vmem>>
          %dma_wait3A_120 = arith.constant 0 : i32
          %dma_wait3A_121 = tpu.memref_slice %arg8[%add3A_91, %dma_wait3A_120] : memref<40x128xi32, #tpu.memory_space<vmem>> -> memref<1x128xi32, #tpu.memory_space<vmem>>
          %dma_wait3A_122 = tpu.memref_squeeze %dma_wait3A_121 : memref<1x128xi32, #tpu.memory_space<vmem>> -> memref<128xi32, #tpu.memory_space<vmem>>
          %dma_wait3A_123 = arith.constant 0 : i32
          %dma_wait3A_124 = arith.constant 0 : i32
          %dma_wait3A_125 = tpu.memref_slice %arg10[%dma_wait3A_123, %dma_wait3A_124] : memref<10240x128xf32, #tpu.memory_space<vmem_shared>> -> memref<10240x128xf32, #tpu.memory_space<vmem_shared>>
          tpu.wait_indirect_dma semaphore(%arg14 : memref<!tpu.dma_semaphore, #tpu.memory_space<semaphore_mem>>) src(%dma_wait3A_119 : memref<128x128xf32, #tpu.memory_space<vmem>>) dst(%dma_wait3A_125 : memref<10240x128xf32, #tpu.memory_space<vmem_shared>>)
          %add3A_126 = arith.constant 2 : i32
          %add3A_127 = arith.addi %add3A_91, %add3A_126 : i32
          %dma_start3A_128 = arith.constant 128 : i32
          %dma_start3A_129 = arith.constant 0 : i32
          %dma_start3A_130 = tpu.memref_slice %arg9[%dma_start3A_128, %dma_start3A_129] : memref<256x128xf32, #tpu.memory_space<vmem>> -> memref<128x128xf32, #tpu.memory_space<vmem>>
          %dma_start3A_131 = arith.constant 0 : i32
          %dma_start3A_132 = tpu.memref_slice %arg7[%add3A_127, %dma_start3A_131] : memref<40x128xi32, #tpu.memory_space<vmem>> -> memref<1x128xi32, #tpu.memory_space<vmem>>
          %dma_start3A_133 = tpu.memref_squeeze %dma_start3A_132 : memref<1x128xi32, #tpu.memory_space<vmem>> -> memref<128xi32, #tpu.memory_space<vmem>>
          %dma_start3A_134 = arith.constant 0 : i32
          %dma_start3A_135 = arith.constant 0 : i32
          %dma_start3A_136 = tpu.memref_slice %arg2[%dma_start3A_134, %dma_start3A_135] : memref<10000x128xf32, #tpu.memory_space<hbm>> -> memref<10000x128xf32, #tpu.memory_space<hbm>>
          tpu.enqueue_indirect_dma source(%dma_start3A_136 : memref<10000x128xf32, #tpu.memory_space<hbm>>) target(%dma_start3A_130 : memref<128x128xf32, #tpu.memory_space<vmem>>) offsets(%dma_start3A_133 : memref<128xi32, #tpu.memory_space<vmem>>) semaphore(%arg12 : memref<!tpu.dma_semaphore, #tpu.memory_space<semaphore_mem>>)
        } else {
        }
      }
      %scan3A_41 = arith.constant 20 : i32
      %dma_wait3A = arith.constant 38 : i32
      %dma_wait3A_42 = arith.constant 0 : i32
      %dma_wait3A_43 = arith.constant 0 : i32
      %dma_wait3A_44 = tpu.memref_slice %arg9[%dma_wait3A_42, %dma_wait3A_43] : memref<256x128xf32, #tpu.memory_space<vmem>> -> memref<128x128xf32, #tpu.memory_space<vmem>>
      %dma_wait3A_45 = arith.constant 0 : i32
      %dma_wait3A_46 = tpu.memref_slice %arg8[%dma_wait3A, %dma_wait3A_45] : memref<40x128xi32, #tpu.memory_space<vmem>> -> memref<1x128xi32, #tpu.memory_space<vmem>>
      %dma_wait3A_47 = tpu.memref_squeeze %dma_wait3A_46 : memref<1x128xi32, #tpu.memory_space<vmem>> -> memref<128xi32, #tpu.memory_space<vmem>>
      %dma_wait3A_48 = arith.constant 0 : i32
      %dma_wait3A_49 = arith.constant 0 : i32
      %dma_wait3A_50 = tpu.memref_slice %arg10[%dma_wait3A_48, %dma_wait3A_49] : memref<10240x128xf32, #tpu.memory_space<vmem_shared>> -> memref<10240x128xf32, #tpu.memory_space<vmem_shared>>
      tpu.wait_indirect_dma semaphore(%arg13 : memref<!tpu.dma_semaphore, #tpu.memory_space<semaphore_mem>>) src(%dma_wait3A_44 : memref<128x128xf32, #tpu.memory_space<vmem>>) dst(%dma_wait3A_50 : memref<10240x128xf32, #tpu.memory_space<vmem_shared>>)
      %dma_wait3A_51 = arith.constant 39 : i32
      %dma_wait3A_52 = arith.constant 128 : i32
      %dma_wait3A_53 = arith.constant 0 : i32
      %dma_wait3A_54 = tpu.memref_slice %arg9[%dma_wait3A_52, %dma_wait3A_53] : memref<256x128xf32, #tpu.memory_space<vmem>> -> memref<128x128xf32, #tpu.memory_space<vmem>>
      %dma_wait3A_55 = arith.constant 0 : i32
      %dma_wait3A_56 = tpu.memref_slice %arg8[%dma_wait3A_51, %dma_wait3A_55] : memref<40x128xi32, #tpu.memory_space<vmem>> -> memref<1x128xi32, #tpu.memory_space<vmem>>
      %dma_wait3A_57 = tpu.memref_squeeze %dma_wait3A_56 : memref<1x128xi32, #tpu.memory_space<vmem>> -> memref<128xi32, #tpu.memory_space<vmem>>
      %dma_wait3A_58 = arith.constant 0 : i32
      %dma_wait3A_59 = arith.constant 0 : i32
      %dma_wait3A_60 = tpu.memref_slice %arg10[%dma_wait3A_58, %dma_wait3A_59] : memref<10240x128xf32, #tpu.memory_space<vmem_shared>> -> memref<10240x128xf32, #tpu.memory_space<vmem_shared>>
      tpu.wait_indirect_dma semaphore(%arg14 : memref<!tpu.dma_semaphore, #tpu.memory_space<semaphore_mem>>) src(%dma_wait3A_54 : memref<128x128xf32, #tpu.memory_space<vmem>>) dst(%dma_wait3A_60 : memref<10240x128xf32, #tpu.memory_space<vmem_shared>>)
    }
    %scan3A_7 = arith.constant 2 : i32
    %barrier3A_8 = arith.constant 0 : index
    tpu.barrier barrier_id(%barrier3A_8)
    %mul3A_9 = arith.constant 640 : i32
    %mul3A_10 = arith.muli %arg1, %mul3A_9 : i32
    %mul3A_11 = arith.constant 640 : i32
    %mul3A_12 = arith.muli %arg1, %mul3A_11 : i32
    "tpu.region"() ({
      %run_scoped3A = tpu.sem_alloc : memref<!tpu.dma_semaphore, #tpu.memory_space<semaphore_mem>>
      %dma_start3A = arith.constant 0 : i32
      %dma_start3A_13 = tpu.memref_slice %arg6[%arg0, %mul3A_12, %dma_start3A] : memref<2x10240x128xf32, #tpu.memory_space<hbm>> -> memref<1x640x128xf32, #tpu.memory_space<hbm>>
      %dma_start3A_14 = tpu.memref_squeeze %dma_start3A_13 : memref<1x640x128xf32, #tpu.memory_space<hbm>> -> memref<640x128xf32, #tpu.memory_space<hbm>>
      %dma_start3A_15 = arith.constant 0 : i32
      %dma_start3A_16 = tpu.memref_slice %arg10[%mul3A_10, %dma_start3A_15] : memref<10240x128xf32, #tpu.memory_space<vmem_shared>> -> memref<640x128xf32, #tpu.memory_space<vmem_shared>>
      tpu.enqueue_dma source(%dma_start3A_16 : memref<640x128xf32, #tpu.memory_space<vmem_shared>>) target(%dma_start3A_14 : memref<640x128xf32, #tpu.memory_space<hbm>>) target_semaphore(%run_scoped3A : memref<!tpu.dma_semaphore, #tpu.memory_space<semaphore_mem>>)
      %dma_wait3A = arith.constant 0 : i32
      %dma_wait3A_17 = tpu.memref_slice %arg6[%arg0, %mul3A_12, %dma_wait3A] : memref<2x10240x128xf32, #tpu.memory_space<hbm>> -> memref<1x640x128xf32, #tpu.memory_space<hbm>>
      %dma_wait3A_18 = tpu.memref_squeeze %dma_wait3A_17 : memref<1x640x128xf32, #tpu.memory_space<hbm>> -> memref<640x128xf32, #tpu.memory_space<hbm>>
      %dma_wait3A_19 = arith.constant 0 : i32
      %dma_wait3A_20 = tpu.memref_slice %arg10[%mul3A_10, %dma_wait3A_19] : memref<10240x128xf32, #tpu.memory_space<vmem_shared>> -> memref<640x128xf32, #tpu.memory_space<vmem_shared>>
      tpu.wait_dma2 semaphore(%run_scoped3A : memref<!tpu.dma_semaphore, #tpu.memory_space<semaphore_mem>>) src(%dma_wait3A_20 : memref<640x128xf32, #tpu.memory_space<vmem_shared>>) dst(%dma_wait3A_18 : memref<640x128xf32, #tpu.memory_space<hbm>>)
      tpu.yield
    }) : () -> ()
    return
  }
}

module attributes {stable_mosaic.version = 14 : i64} {
  func.func @_scale_body(%arg0: i32, %arg1: memref<1000x128xf32, #tpu.memory_space<vmem>>, %arg2: memref<2x1000x1xf32, #tpu.memory_space<vmem>>, %arg3: memref<1000x128xf32, #tpu.memory_space<vmem>>) attributes {dimension_semantics = [#tpu.dimension_semantics<arbitrary>], iteration_bounds = array<i64: 10>, scalar_prefetch = 0 : i64, scratch_operands = 0 : i64, tpu.core_type = #tpu.core_type<tc>, window_params = [{transform_indices = @transform_0, window_bounds = array<i64: 1000, 128>}, {transform_indices = @transform_1, window_bounds = array<i64: 2, 1000, 1>}, {transform_indices = @transform_2, window_bounds = array<i64: 1000, 128>}]} {
    %get3A = arith.constant 0 : index
    %get3A_0 = arith.constant 0 : index
    %get3A_1 = arith.constant 0 : index
    %get3A_2 = vector.load %arg2[%get3A, %get3A_0, %get3A_1] : memref<2x1000x1xf32, #tpu.memory_space<vmem>>, vector<2x1000x1xf32>
    %slice3A = vector.extract_strided_slice %get3A_2 {offsets = [0, 0, 0], sizes = [1, 1000, 1], strides = [1, 1, 1]} : vector<2x1000x1xf32> to vector<1x1000x1xf32>
    %squeeze3A = vector.shape_cast %slice3A : vector<1x1000x1xf32> to vector<1000x1xf32>
    %slice3A_3 = vector.extract_strided_slice %get3A_2 {offsets = [1, 0, 0], sizes = [1, 1000, 1], strides = [1, 1, 1]} : vector<2x1000x1xf32> to vector<1x1000x1xf32>
    %squeeze3A_4 = vector.shape_cast %slice3A_3 : vector<1x1000x1xf32> to vector<1000x1xf32>
    %add3A = arith.addf %squeeze3A, %squeeze3A_4 : vector<1000x1xf32>
    %gt3A = arith.constant 0.000000e+00 : f32
    %gt3A_5 = vector.broadcast %gt3A : f32 to vector<1000x1xf32>
    %gt3A_6 = arith.cmpf ogt, %add3A, %gt3A_5 : vector<1000x1xf32>
    %rsqrt3A = math.rsqrt %add3A : vector<1000x1xf32>
    %jit3A = arith.constant 0.000000e+00 : f32
    %broadcast_in_dim3A = vector.broadcast %jit3A : f32 to vector<1000x1xf32>
    %select_n3A = arith.select %gt3A_6, %rsqrt3A, %broadcast_in_dim3A : vector<1000x1xi1>, vector<1000x1xf32>
    %get3A_7 = arith.constant 0 : index
    %get3A_8 = arith.constant 0 : index
    %get3A_9 = vector.load %arg1[%get3A_7, %get3A_8] : memref<1000x128xf32, #tpu.memory_space<vmem>>, vector<1000x128xf32>
    %mul3A = vector.broadcast %select_n3A : vector<1000x1xf32> to vector<1000x128xf32>
    %mul3A_10 = arith.mulf %get3A_9, %mul3A : vector<1000x128xf32>
    %swap3A = arith.constant 0 : index
    %swap3A_11 = arith.constant 0 : index
    %swap3A_12 = vector.load %arg3[%swap3A, %swap3A_11] : memref<1000x128xf32, #tpu.memory_space<vmem>>, vector<1000x128xf32>
    tpu.vector_store %arg3[%swap3A, %swap3A_11], %mul3A_10 {strides = array<i32>} : memref<1000x128xf32, #tpu.memory_space<vmem>>, vector<1000x128xf32>,
    return
  }
  func.func @transform_0(%arg0: i32) -> (i32, i32) {
    %c0_i32 = arith.constant 0 : i32
    %c0_i32_0 = arith.constant 0 : i32
    return %arg0, %c0_i32 : i32, i32
  }
  func.func @transform_1(%arg0: i32) -> (i32, i32, i32) {
    %c0_i32 = arith.constant 0 : i32
    %c0_i32_0 = arith.constant 0 : i32
    %c0_i32_1 = arith.constant 0 : i32
    return %c0_i32, %arg0, %c0_i32_0 : i32, i32, i32
  }
  func.func @transform_2(%arg0: i32) -> (i32, i32) {
    %c0_i32 = arith.constant 0 : i32
    %c0_i32_0 = arith.constant 0 : i32
    return %arg0, %c0_i32 : i32, i32
  }
}

module attributes {stable_mosaic.version = 14 : i64} {
  func.func @_final_body(%arg0: i32, %arg1: memref<2x1000x128xf32, #tpu.memory_space<vmem>>, %arg2: memref<2x1000x1xf32, #tpu.memory_space<vmem>>, %arg3: memref<128x128xf32, #tpu.memory_space<vmem>>, %arg4: memref<1x128xf32, #tpu.memory_space<vmem>>, %arg5: memref<1000x128xf32, #tpu.memory_space<vmem>>) attributes {dimension_semantics = [#tpu.dimension_semantics<arbitrary>], iteration_bounds = array<i64: 10>, scalar_prefetch = 0 : i64, scratch_operands = 0 : i64, tpu.core_type = #tpu.core_type<tc>, window_params = [{transform_indices = @transform_0, window_bounds = array<i64: 2, 1000, 128>}, {transform_indices = @transform_1, window_bounds = array<i64: 2, 1000, 1>}, {pipeline_mode = #tpu.pipeline_mode<synchronous>, transform_indices = @transform_2, window_bounds = array<i64: 128, 128>}, {pipeline_mode = #tpu.pipeline_mode<synchronous>, transform_indices = @transform_3, window_bounds = array<i64: 1, 128>}, {transform_indices = @transform_4, window_bounds = array<i64: 1000, 128>}]} {
    %get3A = arith.constant 0 : index
    %get3A_0 = arith.constant 0 : index
    %get3A_1 = arith.constant 0 : index
    %get3A_2 = vector.load %arg1[%get3A, %get3A_0, %get3A_1] : memref<2x1000x128xf32, #tpu.memory_space<vmem>>, vector<2x1000x128xf32>
    %slice3A = vector.extract_strided_slice %get3A_2 {offsets = [0, 0, 0], sizes = [1, 1000, 128], strides = [1, 1, 1]} : vector<2x1000x128xf32> to vector<1x1000x128xf32>
    %squeeze3A = vector.shape_cast %slice3A : vector<1x1000x128xf32> to vector<1000x128xf32>
    %slice3A_3 = vector.extract_strided_slice %get3A_2 {offsets = [1, 0, 0], sizes = [1, 1000, 128], strides = [1, 1, 1]} : vector<2x1000x128xf32> to vector<1x1000x128xf32>
    %squeeze3A_4 = vector.shape_cast %slice3A_3 : vector<1x1000x128xf32> to vector<1000x128xf32>
    %add3A = arith.addf %squeeze3A, %squeeze3A_4 : vector<1000x128xf32>
    %get3A_5 = arith.constant 0 : index
    %get3A_6 = arith.constant 0 : index
    %get3A_7 = arith.constant 0 : index
    %get3A_8 = vector.load %arg2[%get3A_5, %get3A_6, %get3A_7] : memref<2x1000x1xf32, #tpu.memory_space<vmem>>, vector<2x1000x1xf32>
    %slice3A_9 = vector.extract_strided_slice %get3A_8 {offsets = [0, 0, 0], sizes = [1, 1000, 1], strides = [1, 1, 1]} : vector<2x1000x1xf32> to vector<1x1000x1xf32>
    %squeeze3A_10 = vector.shape_cast %slice3A_9 : vector<1x1000x1xf32> to vector<1000x1xf32>
    %slice3A_11 = vector.extract_strided_slice %get3A_8 {offsets = [1, 0, 0], sizes = [1, 1000, 1], strides = [1, 1, 1]} : vector<2x1000x1xf32> to vector<1x1000x1xf32>
    %squeeze3A_12 = vector.shape_cast %slice3A_11 : vector<1x1000x1xf32> to vector<1000x1xf32>
    %add3A_13 = arith.addf %squeeze3A_10, %squeeze3A_12 : vector<1000x1xf32>
    %gt3A = arith.constant 0.000000e+00 : f32
    %gt3A_14 = vector.broadcast %gt3A : f32 to vector<1000x1xf32>
    %gt3A_15 = arith.cmpf ogt, %add3A_13, %gt3A_14 : vector<1000x1xf32>
    %rsqrt3A = math.rsqrt %add3A_13 : vector<1000x1xf32>
    %jit3A = arith.constant 0.000000e+00 : f32
    %broadcast_in_dim3A = vector.broadcast %jit3A : f32 to vector<1000x1xf32>
    %select_n3A = arith.select %gt3A_15, %rsqrt3A, %broadcast_in_dim3A : vector<1000x1xi1>, vector<1000x1xf32>
    %mul3A = vector.broadcast %select_n3A : vector<1000x1xf32> to vector<1000x128xf32>
    %mul3A_16 = arith.mulf %add3A, %mul3A : vector<1000x128xf32>
    %get3A_17 = arith.constant 0 : index
    %get3A_18 = arith.constant 0 : index
    %get3A_19 = vector.load %arg3[%get3A_17, %get3A_18] : memref<128x128xf32, #tpu.memory_space<vmem>>, vector<128x128xf32>
    %dot_general3A = arith.constant dense<0.000000e+00> : vector<1000x128xf32>
    %dot_general3A_20 = tpu.matmul %mul3A_16, %get3A_19, %dot_general3A {dimension_numbers = #tpu.dot_dimension_numbers<[1], [0], [0], [1], [0, 0, 1, 1], [], []>, transpose_lhs_hint = false} : vector<1000x128xf32>, vector<128x128xf32>, vector<1000x128xf32> -> vector<1000x128xf32>
    %get3A_21 = arith.constant 0 : index
    %get3A_22 = arith.constant 0 : index
    %get3A_23 = vector.load %arg4[%get3A_21, %get3A_22] : memref<1x128xf32, #tpu.memory_space<vmem>>, vector<1x128xf32>
    %add3A_24 = vector.broadcast %get3A_23 : vector<1x128xf32> to vector<1000x128xf32>
    %add3A_25 = arith.addf %dot_general3A_20, %add3A_24 : vector<1000x128xf32>
    %swap3A = arith.constant 0 : index
    %swap3A_26 = arith.constant 0 : index
    %swap3A_27 = vector.load %arg5[%swap3A, %swap3A_26] : memref<1000x128xf32, #tpu.memory_space<vmem>>, vector<1000x128xf32>
    tpu.vector_store %arg5[%swap3A, %swap3A_26], %add3A_25 {strides = array<i32>} : memref<1000x128xf32, #tpu.memory_space<vmem>>, vector<1000x128xf32>,
    return
  }
  func.func @transform_0(%arg0: i32) -> (i32, i32, i32) {
    %c0_i32 = arith.constant 0 : i32
    %c0_i32_0 = arith.constant 0 : i32
    %c0_i32_1 = arith.constant 0 : i32
    return %c0_i32, %arg0, %c0_i32_0 : i32, i32, i32
  }
  func.func @transform_1(%arg0: i32) -> (i32, i32, i32) {
    %c0_i32 = arith.constant 0 : i32
    %c0_i32_0 = arith.constant 0 : i32
    %c0_i32_1 = arith.constant 0 : i32
    return %c0_i32, %arg0, %c0_i32_0 : i32, i32, i32
  }
  func.func @transform_2(%arg0: i32) -> (i32, i32) {
    %c0_i32 = arith.constant 0 : i32
    %c0_i32_0 = arith.constant 0 : i32
    %c0_i32_1 = arith.constant 0 : i32
    return %c0_i32, %c0_i32_0 : i32, i32
  }
  func.func @transform_3(%arg0: i32) -> (i32, i32) {
    %c0_i32 = arith.constant 0 : i32
    %c0_i32_0 = arith.constant 0 : i32
    %c0_i32_1 = arith.constant 0 : i32
    return %c0_i32, %c0_i32_0 : i32, i32
  }
  func.func @transform_4(%arg0: i32) -> (i32, i32) {
    %c0_i32 = arith.constant 0 : i32
    %c0_i32_0 = arith.constant 0 : i32
    return %arg0, %c0_i32 : i32, i32
  }
}

</mosaic_0001>

<sc_bundles>
// kernel: kernel.6.cloned.1.call-start
scs
__scs_entry_jumppad:
0x0: {  	(pc) =	sbr.rel $0x88, $3  }
0x1: {  	(tag) =	ssettag $0x0;
	lr =	simm.s32 $0x1  }
0x2: {  	[smem:$0x3F9D] =	sst lr;
	_ =	strace $0xD0000000  }
0x3: {  	_ = 	snop  }
0x4: {  	_ = 	snop  }
0x5: {  	_ = 	snop  }
0x6: {  	_ = 	snop  }
0x7: {  	_ = 	snop  }
__scs_overlays_trampoline_lowered:
0x8: {  	[smem:$0x3FAC] =	sst s0  }
0x9: {  	[smem:$0x3FAD] =	sst s1  }
0xa: {  	[smem:$0x3FAE] =	sst s2  }
0xb: {  	[smem:$0x3FAF] =	sst s3  }
0xc: {  	[smem:$0x3FB0] =	sst s4  }
0xd: {  	[smem:$0x3FB1] =	sst s5  }
0xe: {  	[smem:$0x3FB2] =	sst s6  }
0xf: {  	[smem:$0x3FB3] =	sst s7  }
0x10: {  	[smem:$0x3FB4] =	sst s8  }
0x11: {  	[smem:$0x3FB5] =	sst s9;
	s0 =	simm.s32 @!p0 $0x0  }
0x12: {  	s1 =	sld [smem:$0x3F9B];
	s0 =	simm.s32 @p0 $0x1  }
0x13: {  	[smem:$0x3FB6] =	sst s0;
	s0 =	simm.s32 @!p1 $0x0  }
0x14: {  	s2 =	sld [smem:$0x3F9A];
	s0 =	simm.s32 @p1 $0x1  }
0x15: {  	[smem:$0x3FB7] =	sst s0;
	s0 =	simm.s32 @!p2 $0x0  }
0x16: {  	s3 =	sld [smem:$0x3FDB];
	s0 =	simm.s32 @p2 $0x1  }
0x17: {  	s4 =	simm.s32 $0x1BF5;
	[smem:$0x3FB9] =	sst s0  }
0x18: {  	s0 =	sld [smem:$0x3F9C];
	_ =	swait.ge [sflag:s4], $0x0  }
0x19: {  	s7 =	sld [smem:$0x3F9D]  }
0x1a: {  	s8 =	sadd.s32 $0xFFFFE003, lr  }
0x1b: {  	s9 =	sadd.s32 $0xFFFFFEF7, lr;
	s5 =	simm.s32 $0xFFFFFFFF;
	p2 =	slt.u32 s8, $0xFFFFF086  }
0x1c: {  	p1 =	slt.u32 s9, $0xF7A;
	s5 =	simm.s32 @!p2 $0x0  }
0x1d: {  	s5 =	simm.s32 @p1 $0x1;
	p0 =	seq.s32 s7, s2  }
0x1e: {  	s7 =	smul.u32 @!p0 $0xF7A, s2;
	p2 =	seq.s32 @!p0 s5, $0x0  }
0x1f: {  	s9 =	smul.u32 $0xF7A, s1;
	s8 =	simm.s32 @!p0 $0x1BF5;
	p2 =	por !p2, p0  }
0x20: {  	[sflag:s8] =	ssyncset.s32 @!p0 $0xFFFFF086;
	s6 =	sadd.s32 @!p0 s3, s7;
	s7 =	simm.s32 @!p0 $0x108  }
0x21: {  	s3 =	sadd.s32 s3, s9;
	s6 =	sadd.s32 @!p0 $0x88, s6;
	s7 =	simm.s32 @p2 $0x1082  }
0x22: {  	[simem:s7], [sflag:s8] =	dma.local @!p0 [hbm:s6], $0xF7A  }
0x23: {  	s9 =	sor.u32 $0xD0000000, s2;
	s6 =	simm.s32 $0x108;
	_ =	swait.ge @!p0 [sflag:s8], $0x0  }
0x24: {  	s3 =	sadd.s32 $0x88, s3;
	s6 =	simm.s32 @!p1 $0x1082;
	[sflag:s4] =	ssyncset.s32 $0xFFFFF086  }
0x25: {  	[simem:s6], [sflag:s4] =	dma.local [hbm:s3], $0xF7A  }
0x26: {  	[smem:$0x3F9D] =	sst s1;
	(tag) =	ssettag s2;
	_ =	strace s9  }
0x27: {  	s1 =	sld [smem:$0x3FAD]  }
0x28: {  	s2 =	sld [smem:$0x3FAE]  }
0x29: {  	s4 =	sld [smem:$0x3FB0]  }
0x2a: {  	p0 =	seq.s32 s5, $0x0;
	s5 =	sld [smem:$0x3FB1]  }
0x2b: {  	s6 =	sld [smem:$0x3FB2]  }
0x2c: {  	s7 =	sld [smem:$0x3FB3]  }
0x2d: {  	s3 =	simm.s32 $0x108;
	s8 =	sld [smem:$0x3FB4]  }
0x2e: {  	s3 =	simm.s32 @!p0 $0x1082;
	s9 =	sld [smem:$0x3FB5]  }
0x2f: {  	lr =	sadd.s32 s0, s3;
	s0 =	sld [smem:$0x3FAC]  }
0x30: {  	s3 =	sld [smem:$0x3FAF]  }
0x31: {  	[smem:$0x3FB8] =	sst s10  }
0x32: {  	s10 =	sld [smem:$0x3FB6];
	_ =	sdelay $0x3  }
0x33: {  	p0 =	seq.s32 s10, $0x1;
	s10 =	sld [smem:$0x3FB8];
	_ =	sdelay $0x3  }
0x34: {  	[smem:$0x3FB8] =	sst s10  }
0x35: {  	s10 =	sld [smem:$0x3FB7];
	_ =	sdelay $0x3  }
0x36: {  	p1 =	seq.s32 s10, $0x1;
	s10 =	sld [smem:$0x3FB8];
	_ =	sdelay $0x3  }
0x37: {  	[smem:$0x3FB8] =	sst s10  }
0x38: {  	s10 =	sld [smem:$0x3FB9]  }
0x39: {  	_ = 	snop;
	(pc) =	sbr.ind lr, $3  }
0x3a: {  	_ = 	snop  }
0x3b: {  	_ = 	snop  }
0x3c: {  	p2 =	seq.s32 s10, $0x1;
	s10 =	sld [smem:$0x3FB8]  }
0x3d: {  	_ =	shalt  }
0x3e: {  	_ =	shalt  }
0x3f: {  	_ =	shalt  }
0x40: {  	_ =	shalt  }
0x41: {  	_ =	shalt  }
0x42: {  	_ =	shalt  }
0x43: {  	_ =	shalt  }
0x44: {  	_ =	shalt  }
0x45: {  	_ =	shalt  }
0x46: {  	_ =	shalt  }
0x47: {  	_ =	shalt  }
0x48: {  	_ =	shalt  }
0x49: {  	_ =	shalt  }
0x4a: {  	_ =	shalt  }
0x4b: {  	_ =	shalt  }
0x4c: {  	_ =	shalt  }
0x4d: {  	_ =	shalt  }
0x4e: {  	_ =	shalt  }
0x4f: {  	_ =	shalt  }
0x50: {  	_ =	shalt  }
0x51: {  	_ =	shalt  }
0x52: {  	_ =	shalt  }
0x53: {  	_ =	shalt  }
0x54: {  	_ =	shalt  }
0x55: {  	_ =	shalt  }
0x56: {  	_ =	shalt  }
0x57: {  	_ =	shalt  }
0x58: {  	_ =	shalt  }
0x59: {  	_ =	shalt  }
0x5a: {  	_ =	shalt  }
0x5b: {  	_ =	shalt  }
0x5c: {  	_ =	shalt  }
0x5d: {  	_ =	shalt  }
0x5e: {  	_ =	shalt  }
0x5f: {  	_ =	shalt  }
0x60: {  	_ =	shalt  }
0x61: {  	_ =	shalt  }
0x62: {  	_ =	shalt  }
0x63: {  	_ =	shalt  }
0x64: {  	_ =	shalt  }
0x65: {  	_ =	shalt  }
0x66: {  	_ =	shalt  }
0x67: {  	_ =	shalt  }
0x68: {  	_ =	shalt  }
0x69: {  	_ =	shalt  }
0x6a: {  	_ =	shalt  }
0x6b: {  	_ =	shalt  }
0x6c: {  	_ =	shalt  }
0x6d: {  	_ =	shalt  }
0x6e: {  	_ =	shalt  }
0x6f: {  	_ =	shalt  }
0x70: {  	_ =	shalt  }
0x71: {  	_ =	shalt  }
0x72: {  	_ =	shalt  }
0x73: {  	_ =	shalt  }
0x74: {  	_ =	shalt  }
0x75: {  	_ =	shalt  }
0x76: {  	_ =	shalt  }
0x77: {  	_ =	shalt  }
0x78: {  	_ =	shalt  }
0x79: {  	_ =	shalt  }
0x7a: {  	_ =	shalt  }
0x7b: {  	_ =	shalt  }
0x7c: {  	_ =	shalt  }
0x7d: {  	_ =	shalt  }
0x7e: {  	_ =	shalt  }
0x7f: {  	_ =	shalt  }
0x80: {  	_ =	shalt  }
0x81: {  	_ =	shalt  }
0x82: {  	_ =	shalt  }
0x83: {  	_ =	shalt  }
0x84: {  	_ =	shalt  }
0x85: {  	_ =	shalt  }
0x86: {  	_ =	shalt  }
0x87: {  	_ =	shalt  }
.Lfunc_end0:
.L_simem_size_0:
called_computation_lowered:
.L_overlay_start_0:
0x88: {  	s2 =	sld [smem:$0x3FD9]  }
0x89: {  	s3 =	sld [smem:$0x3FFE];
	_ =	sdelay $0x1  }
0x8a: {  	s1 =	srdreg.scid  }
0x8b: {  	s0 =	sand.u32 $0x1, s1  }
0x8c: {  	s17 =	sshll.u32 s0, $0xA;
	s2 =	sadd.s32 s3, s2  }
0x8d: {  	s2 =	sadd.s32 s2, s17  }
0x8e: {  	[smem:$0x3FC4] =	sst s2  }
0x8f: {  	_ = 	snop  }
0x90: {  	s2 =	sld [smem:$0x3FD0];
	(tm) =	ssettm $0x1  }
0x91: {  	s18 =	sld [smem:$0x3FFB];
	_ =	sdelay $0x3  }
0x92: {  	_ =	strace s18  }
0x93: {  	s3 =	sld [smem:$0x3FFC];
	_ =	sdelay $0x3  }
0x94: {  	_ =	strace s3  }
0x95: {  	s3 =	sld [smem:$0x3FFD];
	_ =	sdelay $0x3  }
0x96: {  	_ =	strace s3  }
0x97: {  	_ =	strace $0x8FFFFFFF  }
0x98: {  	s19 =	sld [smem:$0x3FDB];
	_ =	sdelay $0x1  }
0x99: {  	s4 =	simm.s32 $_scs_section_size  }
0x9a: {  	s5 =	simm.s32 $_size__tile_overlayer_lowered;
	s6 =	simm.s32 $_tile_overlayer_lowered  }
0x9b: {  	s22 =	simm.s32 $0x1BFF;
	s21 =	sshll.u32 s6, $0x1;
	s3 =	sadd.s32 s4, s19  }
0x9c: {  	s7 =	simm.s32 $0x0;
	s20 =	sshll.u32 s5, $0x1;
	s5 =	sadd.s32 s21, s3  }
0x9d: {  	[timem:s7], [sflag:s22] =	dma.local [hbm:s5], s20  }
0x9e: {  	_ =	swait.ge [sflag:s22], s20  }
0x9f: {  	s4 =	ssub.s32 $0x0, s20;
	[sflag:s22] =	ssyncset.done $0x0  }
0xa0: {  	[sflag:s22] =	ssyncadd.s32 s4;
	_ =	sdelay $0x1  }
0xa1: {  	s23 =	simm.s32 $0x1B8B  }
0xa2: {  	_ =	swait.ge [sflag:s23], $0x1  }
0xa3: {  	[sflag:s23] =	ssyncset.done $0x0  }
0xa4: {  	s25 =	simm.s32 $0x1B8E;
	s24 =	sld [smem:$0x3FFE];
	[sflag:s23] =	ssyncadd.s32 $0xFFFFFFFF  }
0xa5: {  	s26 =	simm.s32 $execute0_lowered;
	[smem:$0x3FD2] =	sst s25  }
0xa6: {  	s5 =	sshll.u32 s26, $0x1;
	_ =	strace $0x80000046;
	[dreg:$0x1] =	wrdreg $0xFFFFFFFF  }
0xa7: {  	s28 =	simm.s32 $_size_execute0_lowered;
	s3 =	sadd.s32 s3, s5;
	[dreg:$0x0] =	wrdreg $0x0  }
0xa8: {  	s5 =	sshll.u32 s28, $0x1;
	[dreg:$0x2] =	wrdreg s3  }
0xa9: {  	[dreg:$0x3] =	wrdreg s5  }
0xaa: {  	[dreg:$0x4] =	wrdreg $0xC0  }
0xab: {  	_ =	task [dreg:s7], $0x5FFFF  }
0xac: {  	[dreg:$0x1] =	wrdreg $0xFFFFFFFF  }
0xad: {  	[dreg:$0x0] =	wrdreg $0x60  }
0xae: {  	[dreg:$0x2] =	wrdreg s24  }
0xaf: {  	[dreg:$0x3] =	wrdreg s2  }
0xb0: {  	[dreg:$0x4] =	wrdreg $0x28800  }
0xb1: {  	[dreg:$0x5] =	wrdreg $0x9  }
0xb2: {  	_ =	task.clear_ibuf [dreg:s7], $0x6FFFF;
	_ =	strace $0x90000046  }
0xb3: {  	s29 =	simm.s32 $0x9;
	_ =	strace $0x80000048  }
0xb4: {  	_ =	swait.ge [sflag:s29], $0x1  }
0xb5: {  	[sflag:s29] =	ssyncadd.s32 $0xFFFFFFFF  }
0xb6: {  	_ =	strace $0x90000048  }
0xb7: {  	_ =	sfence  }
0xb8: {  	s30 =	sld [smem:$0x0];
	_ =	sdelay $0x2  }
0xb9: {  	s31 =	sshll.u32 s1, $0xD;
	s1 =	sshrl.u32 s1, $0x2  }
0xba: {  	s3 =	sand.u32 $0x4000, s31;
	s1 =	sadd.s32 s1, s30  }
0xbb: {  	s0 =	sor.u32 s3, s0;
	s1 =	sshll.u32 s1, $0x11  }
0xbc: {  	s0 =	sor.u32 s1, s0  }
0xbd: {  	s0 =	sadd.s32 $0x8F2B, s0  }
0xbe: {  	[sflag:s0] =	ssyncadd.remote.s32 $0x1  }
0xbf: {  	_ =	sfence.sel $0xFFFF  }
0xc0: {  	[dreg:$0x0] =	wrdreg $0xFFFFFFFF;
	(pc) =	sbr.abs _section_cstart, $3  }
0xc1: {  	[dreg:$0x1] =	wrdreg $0xFFFFFFFF  }
0xc2: {  	_ =	task.clear_ibuf [dreg:s7], $0x2FFFF;
	_ =	strace $0x9FFFFFFF  }
0xc3: {  	(tm) =	ssettm $0x7FFFFFFF  }
tec
execute0_lowered:
.L_overlay_start_1:
0x0: {  	(tag) =	ssettag $0x1  }
0x1: {  	s4 =	rddreg [dreg:$0x0]  }
0x2: {  	s0 =	srdreg.scid;
	s6 =	rddreg [dreg:$0x1]  }
0x3: {  	s2 =	rddreg [dreg:$0x2];
	s3 =	simm.s32 $0x0;
	s12 =	simm.s32 $0x2800  }
0x4: {  	s13 =	simm.s32 $0x1;
	s14 =	simm.s32 $0x20;
	s15 =	simm.s32 $0x10  }
0x5: {  	s16 =	simm.s32 $0x0;
	s5 =	sand.u32 $0x1, s0;
	s0 =	stileid.u32  }
0x6: {  	[smem:$0x7FF] =	sst s3;
	s1 =	sshll.u32 s5, $0x4;
	s8 =	smul.u32 $0x280, s0  }
0x7: {  	s10 =	ssub.s32 $0x2, s5;
	s11 =	smul.u32 $0x500, s0;
	s5 =	sshll.u32 s5, $0x7  }
0x8: {  	s31 =	sshll.u32 s0, $0x6;
	s7 =	sor.u32 s0, s1;
	s1 =	rddreg [dreg:$0x3]  }
0x9: {  	_ =	strace $0x80000047;
	s28 =	sshrl.u32 s10, $0x1;
	s7 =	smul.u32 $0x500, s7  }
0xa: {  	s9 =	sshrl.u32 s8, $0x3;
	s10 =	ssub.s32 s10, s28;
	s29 =	sor.u32 s5, s11  }
0xb: {  	s30 =	sadd.s32 s8, s2;
	s8 =	simm.s32 $0x2;
	s9 =	sadd.s32 s9, s4  }
0xc: {  	s11 =	simm.s32 $0x80;
	s7 =	sadd.s32 s7, s4;
	s5 =	sadd.s32 $0x15200, s9  }
0xd: {  	s9 =	sor.u32 $0x1C02, s31;
	s4 =	sadd.s32 $0x1200, s7;
	s7 =	sshrl.u32 s29, $0x3  }
0xe: {  	v0 =	vimm.f32 $1.000000000e+00;
	s6 =	sadd.s32 s6, s7;
	s7 =	smax.u32 s10, $0x1;
	s10 =	sshrl.u32 s30, $0x3  }
.LBB2_1:
0xf: {  	[tilespmem:s3], [sflag:$0x2] =	stream.linear.gather [hbm4b:s4+s3], $0x2800, $0x38;
	[tilespmem:$0x2B00] =	vst v63  }
0x10: {  	_ =	swait.ge [sflag:s8], $0x2800  }
0x11: {  	[sflag:s8] =	ssyncset.done $0x0  }
0x12: {  	[sflag:s8] =	ssyncadd.s32 $0xFFFFD800  }
0x13: {  	[spmem:s10], [sflag:s9] =	dma.local [hbm:s5], $0x50  }
0x14: {  	_ =	swait.ge [sflag:s8], $0x50  }
0x15: {  	[sflag:s8] =	ssyncset.done $0x0  }
0x16: {  	[sflag:s8] =	ssyncadd.s32 $0xFFFFFFB0  }
0x17: {  	[tilespmem:$0x2800] =	vst v0  }
0x18: {  	[tilespmem:$0x2810] =	vst v0  }
0x19: {  	[tilespmem:$0x2820] =	vst v0  }
0x1a: {  	[tilespmem:$0x2830] =	vst v0  }
0x1b: {  	[tilespmem:$0x2840] =	vst v0  }
0x1c: {  	[tilespmem:$0x2850] =	vst v0  }
0x1d: {  	[tilespmem:$0x2860] =	vst v0  }
0x1e: {  	[tilespmem:$0x2870] =	vst v0  }
0x1f: {  	s17 =	simm.s32 $0x0;
	[bflag:$0x0] =	sbarrier.arrive $0xFFFF  }
0x20: {  	[spmem:s2] =	stream.indirect.scatter.add.f32 [tilespmem:s12], [sflag:$0x1], $0x1, s17, s11, $0xb8;
	[tilespmem:$0x2B00] =	vst v63  }
0x21: {  	s24 =	simm.s32 $0x80  }
0x22: {  	[spmem:s2] =	stream.indirect.scatter.add.f32 [tilespmem:s12], [sflag:$0x1], $0x1, s24, s11, $0xb8;
	[tilespmem:$0x2B00] =	vst v63  }
0x23: {  	s25 =	simm.s32 $0x100  }
0x24: {  	[spmem:s2] =	stream.indirect.scatter.add.f32 [tilespmem:s12], [sflag:$0x1], $0x1, s25, s11, $0xb8;
	[tilespmem:$0x2B00] =	vst v63  }
0x25: {  	s26 =	simm.s32 $0x180  }
0x26: {  	[spmem:s2] =	stream.indirect.scatter.add.f32 [tilespmem:s12], [sflag:$0x1], $0x1, s26, s11, $0xb8;
	[tilespmem:$0x2B00] =	vst v63  }
0x27: {  	s28 =	simm.s32 $0x200  }
0x28: {  	[spmem:s2] =	stream.indirect.scatter.add.f32 [tilespmem:s12], [sflag:$0x1], $0x1, s28, s11, $0xb8;
	[tilespmem:$0x2B00] =	vst v63  }
0x29: {  	s29 =	simm.s32 $0x280  }
0x2a: {  	[spmem:s2] =	stream.indirect.scatter.add.f32 [tilespmem:s12], [sflag:$0x1], $0x1, s29, s11, $0xb8;
	[tilespmem:$0x2B00] =	vst v63  }
0x2b: {  	s30 =	simm.s32 $0x300  }
0x2c: {  	[spmem:s2] =	stream.indirect.scatter.add.f32 [tilespmem:s12], [sflag:$0x1], $0x1, s30, s11, $0xb8;
	[tilespmem:$0x2B00] =	vst v63  }
0x2d: {  	s31 =	simm.s32 $0x380  }
0x2e: {  	[spmem:s2] =	stream.indirect.scatter.add.f32 [tilespmem:s12], [sflag:$0x1], $0x1, s31, s11, $0xb8;
	[tilespmem:$0x2B00] =	vst v63  }
0x2f: {  	_ =	swait.ge [sflag:s13], $0x80  }
0x30: {  	[sflag:s13] =	ssyncset.done $0x0  }
0x31: {  	[sflag:s13] =	ssyncadd.s32 $0xFFFFFF80  }
0x32: {  	_ =	swait.ge [sflag:s13], $0x80  }
0x33: {  	[sflag:s13] =	ssyncset.done $0x0  }
0x34: {  	[sflag:s13] =	ssyncadd.s32 $0xFFFFFF80  }
0x35: {  	_ =	swait.ge [sflag:s13], $0x80  }
0x36: {  	[sflag:s13] =	ssyncset.done $0x0  }
0x37: {  	[sflag:s13] =	ssyncadd.s32 $0xFFFFFF80  }
0x38: {  	_ =	swait.ge [sflag:s13], $0x80  }
0x39: {  	[sflag:s13] =	ssyncset.done $0x0  }
0x3a: {  	[sflag:s13] =	ssyncadd.s32 $0xFFFFFF80  }
0x3b: {  	_ =	swait.ge [sflag:s13], $0x80  }
0x3c: {  	[sflag:s13] =	ssyncset.done $0x0  }
0x3d: {  	[sflag:s13] =	ssyncadd.s32 $0xFFFFFF80  }
0x3e: {  	_ =	swait.ge [sflag:s13], $0x80  }
0x3f: {  	[sflag:s13] =	ssyncset.done $0x0  }
0x40: {  	[sflag:s13] =	ssyncadd.s32 $0xFFFFFF80  }
0x41: {  	_ =	swait.ge [sflag:s13], $0x80  }
0x42: {  	[sflag:s13] =	ssyncset.done $0x0  }
0x43: {  	[sflag:s13] =	ssyncadd.s32 $0xFFFFFF80  }
0x44: {  	_ =	swait.ge [sflag:s13], $0x80  }
0x45: {  	s19 =	simm.s32 $0x2000;
	s17 =	simm.s32 $0x1000;
	[sflag:s13] =	ssyncset.done $0x0  }
.LBB2_2:
0x46: {  	s20 =	sshra.s32 s17, $0x2  }
0x47: {  	[sflag:s13] =	ssyncadd.s32 $0xFFFFFF80;
	s17 =	smov.u32 s19;
	s18 =	sadd.s32 $0x1000, s19  }
0x48: {  	[spmem:s2] =	stream.indirect.scatter.add.f32 [tilespmem:s12], [sflag:$0x1], $0x1, s20, s11, $0xb8;
	[tilespmem:$0x2B00] =	vst v63  }
0x49: {  	p0 =	sne.s32 s19, $0x9000;
	s19 =	sadd.s32 $0x80, s20  }
0x4a: {  	[spmem:s2] =	stream.indirect.scatter.add.f32 [tilespmem:s12], [sflag:$0x1], $0x1, s19, s11, $0xb8;
	[tilespmem:$0x2B00] =	vst v63  }
0x4b: {  	s19 =	sadd.s32 $0x100, s20  }
0x4c: {  	[spmem:s2] =	stream.indirect.scatter.add.f32 [tilespmem:s12], [sflag:$0x1], $0x1, s19, s11, $0xb8;
	[tilespmem:$0x2B00] =	vst v63  }
0x4d: {  	s19 =	sadd.s32 $0x180, s20  }
0x4e: {  	[spmem:s2] =	stream.indirect.scatter.add.f32 [tilespmem:s12], [sflag:$0x1], $0x1, s19, s11, $0xb8;
	[tilespmem:$0x2B00] =	vst v63  }
0x4f: {  	s19 =	sadd.s32 $0x200, s20  }
0x50: {  	[spmem:s2] =	stream.indirect.scatter.add.f32 [tilespmem:s12], [sflag:$0x1], $0x1, s19, s11, $0xb8;
	[tilespmem:$0x2B00] =	vst v63  }
0x51: {  	s19 =	sadd.s32 $0x280, s20  }
0x52: {  	[spmem:s2] =	stream.indirect.scatter.add.f32 [tilespmem:s12], [sflag:$0x1], $0x1, s19, s11, $0xb8;
	[tilespmem:$0x2B00] =	vst v63  }
0x53: {  	s19 =	sadd.s32 $0x300, s20  }
0x54: {  	[spmem:s2] =	stream.indirect.scatter.add.f32 [tilespmem:s12], [sflag:$0x1], $0x1, s19, s11, $0xb8;
	[tilespmem:$0x2B00] =	vst v63  }
0x55: {  	s19 =	sadd.s32 $0x380, s20  }
0x56: {  	[spmem:s2] =	stream.indirect.scatter.add.f32 [tilespmem:s12], [sflag:$0x1], $0x1, s19, s11, $0xb8;
	[tilespmem:$0x2B00] =	vst v63  }
0x57: {  	_ =	swait.ge [sflag:s13], $0x80  }
0x58: {  	[sflag:s13] =	ssyncset.done $0x0  }
0x59: {  	[sflag:s13] =	ssyncadd.s32 $0xFFFFFF80  }
0x5a: {  	_ =	swait.ge [sflag:s13], $0x80  }
0x5b: {  	[sflag:s13] =	ssyncset.done $0x0  }
0x5c: {  	[sflag:s13] =	ssyncadd.s32 $0xFFFFFF80  }
0x5d: {  	_ =	swait.ge [sflag:s13], $0x80  }
0x5e: {  	[sflag:s13] =	ssyncset.done $0x0  }
0x5f: {  	[sflag:s13] =	ssyncadd.s32 $0xFFFFFF80  }
0x60: {  	_ =	swait.ge [sflag:s13], $0x80  }
0x61: {  	[sflag:s13] =	ssyncset.done $0x0  }
0x62: {  	[sflag:s13] =	ssyncadd.s32 $0xFFFFFF80  }
0x63: {  	_ =	swait.ge [sflag:s13], $0x80  }
0x64: {  	[sflag:s13] =	ssyncset.done $0x0  }
0x65: {  	[sflag:s13] =	ssyncadd.s32 $0xFFFFFF80  }
0x66: {  	_ =	swait.ge [sflag:s13], $0x80  }
0x67: {  	[sflag:s13] =	ssyncset.done $0x0  }
0x68: {  	[sflag:s13] =	ssyncadd.s32 $0xFFFFFF80  }
.Ltmp0:
0x69: {  	_ =	swait.ge [sflag:s13], $0x80;
	(pc) =	sbr.rel @p0 .LBB2_2-.Ltmp0, $4  }
0x6a: {  	[sflag:s13] =	ssyncset.done $0x0  }
0x6b: {  	[sflag:s13] =	ssyncadd.s32 $0xFFFFFF80  }
0x6c: {  	_ =	swait.ge [sflag:s13], $0x80  }
0x6d: {  	s19 =	smov.u32 s18;
	[sflag:s13] =	ssyncset.done $0x0  }
0x6e: {  	s17 =	sshra.s32 s17, $0x2;
	[sflag:s13] =	ssyncadd.s32 $0xFFFFFF80  }
0x6f: {  	[spmem:s2] =	stream.indirect.scatter.add.f32 [tilespmem:s12], [sflag:$0x1], $0x1, s17, s11, $0xb8;
	[tilespmem:$0x2B00] =	vst v63  }
0x70: {  	s18 =	sadd.s32 $0x80, s17  }
0x71: {  	[spmem:s2] =	stream.indirect.scatter.add.f32 [tilespmem:s12], [sflag:$0x1], $0x1, s18, s11, $0xb8;
	[tilespmem:$0x2B00] =	vst v63  }
0x72: {  	s26 =	sadd.s32 $0x100, s17  }
0x73: {  	[spmem:s2] =	stream.indirect.scatter.add.f32 [tilespmem:s12], [sflag:$0x1], $0x1, s26, s11, $0xb8;
	[tilespmem:$0x2B00] =	vst v63  }
0x74: {  	s28 =	sadd.s32 $0x180, s17  }
0x75: {  	[spmem:s2] =	stream.indirect.scatter.add.f32 [tilespmem:s12], [sflag:$0x1], $0x1, s28, s11, $0xb8;
	[tilespmem:$0x2B00] =	vst v63  }
0x76: {  	s29 =	sadd.s32 $0x200, s17  }
0x77: {  	[spmem:s2] =	stream.indirect.scatter.add.f32 [tilespmem:s12], [sflag:$0x1], $0x1, s29, s11, $0xb8;
	[tilespmem:$0x2B00] =	vst v63  }
0x78: {  	s30 =	sadd.s32 $0x280, s17  }
0x79: {  	[spmem:s2] =	stream.indirect.scatter.add.f32 [tilespmem:s12], [sflag:$0x1], $0x1, s30, s11, $0xb8;
	[tilespmem:$0x2B00] =	vst v63  }
0x7a: {  	s31 =	sadd.s32 $0x300, s17  }
0x7b: {  	[spmem:s2] =	stream.indirect.scatter.add.f32 [tilespmem:s12], [sflag:$0x1], $0x1, s31, s11, $0xb8;
	[tilespmem:$0x2B00] =	vst v63  }
0x7c: {  	s17 =	sadd.s32 $0x380, s17  }
0x7d: {  	[spmem:s2] =	stream.indirect.scatter.add.f32 [tilespmem:s12], [sflag:$0x1], $0x1, s17, s11, $0xb8;
	[tilespmem:$0x2B00] =	vst v63  }
0x7e: {  	_ =	swait.ge [sflag:s13], $0x80  }
0x7f: {  	[sflag:s13] =	ssyncset.done $0x0  }
0x80: {  	[sflag:s13] =	ssyncadd.s32 $0xFFFFFF80  }
0x81: {  	_ =	swait.ge [sflag:s13], $0x80  }
0x82: {  	[sflag:s13] =	ssyncset.done $0x0  }
0x83: {  	[sflag:s13] =	ssyncadd.s32 $0xFFFFFF80  }
0x84: {  	_ =	swait.ge [sflag:s13], $0x80  }
0x85: {  	[sflag:s13] =	ssyncset.done $0x0  }
0x86: {  	[sflag:s13] =	ssyncadd.s32 $0xFFFFFF80  }
0x87: {  	_ =	swait.ge [sflag:s13], $0x80  }
0x88: {  	[sflag:s13] =	ssyncset.done $0x0  }
0x89: {  	[sflag:s13] =	ssyncadd.s32 $0xFFFFFF80  }
0x8a: {  	_ =	swait.ge [sflag:s13], $0x80  }
0x8b: {  	[sflag:s13] =	ssyncset.done $0x0  }
0x8c: {  	[sflag:s13] =	ssyncadd.s32 $0xFFFFFF80  }
0x8d: {  	_ =	swait.ge [sflag:s13], $0x80  }
0x8e: {  	[sflag:s13] =	ssyncset.done $0x0  }
0x8f: {  	[sflag:s13] =	ssyncadd.s32 $0xFFFFFF80  }
0x90: {  	_ =	swait.ge [sflag:s13], $0x80  }
0x91: {  	[sflag:s13] =	ssyncset.done $0x0  }
0x92: {  	[sflag:s13] =	ssyncadd.s32 $0xFFFFFF80  }
0x93: {  	_ =	swait.ge [sflag:s13], $0x80  }
0x94: {  	s16 =	sadd.s32 $0x1, s16;
	[sflag:s13] =	ssyncset.done $0x0  }
0x95: {  	p0 =	sne.s32 s16, s7;
	[sflag:s13] =	ssyncadd.s32 $0xFFFFFF80  }
.Ltmp1:
0x96: {  	[bflag:$0x0] =	sbarrier.arrive $0xFFFF;
	(pc) =	sbr.rel @p0 .LBB2_1-.Ltmp1, $4  }
0x97: {  	[hbm:s6@s14], [sflag:s9] =	dma.strided [spmem:s10@s15], $0x50, s13, $0x10   }
0x98: {  	_ =	swait.ge [sflag:s8], $0x50  }
0x99: {  	[sflag:s8] =	ssyncset.done $0x0  }
0x9a: {  	[sflag:s8] =	ssyncadd.s32 $0xFFFFFFB0  }
0x9b: {  	_ =	sfence.sel $0x180000  }
0x9c: {  	[bflag:$0x0] =	sbarrier.arrive $0xFFFF  }
0x9d: {  	p0 =	sne.s32 s0, $0x0;
	_ =	strace $0x90000047  }
0x9e: {  	s0 =	sadd.s32 @!p0 $0x100000, s1;
	[bflag:$0x2] =	sbarrier.arrive $0xFFFF  }
0x9f: {  	[sflag:s0] =	ssyncadd.tile.s32 @!p0 $0x1;
	_ =	shalt  }
.Lfunc_end2:
_tile_overlayer_lowered:
.L_overlay_start_2:
0xa0: {  	(tag) =	ssettag $0x2  }
0xa1: {  	s0 =	rddreg [dreg:$0x0];
	s2 =	stileid.u32  }
0xa2: {  	s1 =	rddreg [dreg:$0x1];
	p0 =	sne.s32 s2, $0x0  }
0xa3: {  	s3 =	rddreg [dreg:$0x2];
	[bflag:$0x3] =	sbarrier.arrive $0xFFFF;
	s2 =	simm.s32 @!p0 $0x1C02  }
0xa4: {  	[timem:s3], [sflag:s2] =	dma.local @!p0 [hbm:s0], s1  }
0xa5: {  	s0 =	simm.s32 @!p0 $0x2  }
0xa6: {  	_ =	swait.ge @!p0 [sflag:s0], s1  }
0xa7: {  	s1 =	ssub.s32 @!p0 $0x0, s1;
	[sflag:s0] =	ssyncset.done @!p0 $0x0  }
0xa8: {  	[sflag:s0] =	ssyncadd.s32 @!p0 s1  }
0xa9: {  	[bflag:$0x3] =	sbarrier.arrive $0xFFFF  }
0xaa: {  	_ =	shalt  }

// kernel: kernel.9.cloned.1.call-start
scs
__scs_entry_jumppad:
0x0: {  	(pc) =	sbr.rel $0x88, $3  }
0x1: {  	(tag) =	ssettag $0x0;
	lr =	simm.s32 $0x1  }
0x2: {  	[smem:$0x3F9D] =	sst lr;
	_ =	strace $0xD0000000  }
0x3: {  	_ = 	snop  }
0x4: {  	_ = 	snop  }
0x5: {  	_ = 	snop  }
0x6: {  	_ = 	snop  }
0x7: {  	_ = 	snop  }
__scs_overlays_trampoline_lowered:
0x8: {  	[smem:$0x3FAC] =	sst s0  }
0x9: {  	[smem:$0x3FAD] =	sst s1  }
0xa: {  	[smem:$0x3FAE] =	sst s2  }
0xb: {  	[smem:$0x3FAF] =	sst s3  }
0xc: {  	[smem:$0x3FB0] =	sst s4  }
0xd: {  	[smem:$0x3FB1] =	sst s5  }
0xe: {  	[smem:$0x3FB2] =	sst s6  }
0xf: {  	[smem:$0x3FB3] =	sst s7  }
0x10: {  	[smem:$0x3FB4] =	sst s8  }
0x11: {  	[smem:$0x3FB5] =	sst s9;
	s0 =	simm.s32 @!p0 $0x0  }
0x12: {  	s1 =	sld [smem:$0x3F9B];
	s0 =	simm.s32 @p0 $0x1  }
0x13: {  	[smem:$0x3FB6] =	sst s0;
	s0 =	simm.s32 @!p1 $0x0  }
0x14: {  	s2 =	sld [smem:$0x3F9A];
	s0 =	simm.s32 @p1 $0x1  }
0x15: {  	[smem:$0x3FB7] =	sst s0;
	s0 =	simm.s32 @!p2 $0x0  }
0x16: {  	s3 =	sld [smem:$0x3FDB];
	s0 =	simm.s32 @p2 $0x1  }
0x17: {  	s4 =	simm.s32 $0x1BF5;
	[smem:$0x3FB9] =	sst s0  }
0x18: {  	s0 =	sld [smem:$0x3F9C];
	_ =	swait.ge [sflag:s4], $0x0  }
0x19: {  	s7 =	sld [smem:$0x3F9D]  }
0x1a: {  	s8 =	sadd.s32 $0xFFFFE003, lr  }
0x1b: {  	s9 =	sadd.s32 $0xFFFFFEF7, lr;
	s5 =	simm.s32 $0xFFFFFFFF;
	p2 =	slt.u32 s8, $0xFFFFF086  }
0x1c: {  	p1 =	slt.u32 s9, $0xF7A;
	s5 =	simm.s32 @!p2 $0x0  }
0x1d: {  	s5 =	simm.s32 @p1 $0x1;
	p0 =	seq.s32 s7, s2  }
0x1e: {  	s7 =	smul.u32 @!p0 $0xF7A, s2;
	p2 =	seq.s32 @!p0 s5, $0x0  }
0x1f: {  	s9 =	smul.u32 $0xF7A, s1;
	s8 =	simm.s32 @!p0 $0x1BF5;
	p2 =	por !p2, p0  }
0x20: {  	[sflag:s8] =	ssyncset.s32 @!p0 $0xFFFFF086;
	s6 =	sadd.s32 @!p0 s3, s7;
	s7 =	simm.s32 @!p0 $0x108  }
0x21: {  	s3 =	sadd.s32 s3, s9;
	s6 =	sadd.s32 @!p0 $0x88, s6;
	s7 =	simm.s32 @p2 $0x1082  }
0x22: {  	[simem:s7], [sflag:s8] =	dma.local @!p0 [hbm:s6], $0xF7A  }
0x23: {  	s9 =	sor.u32 $0xD0000000, s2;
	s6 =	simm.s32 $0x108;
	_ =	swait.ge @!p0 [sflag:s8], $0x0  }
0x24: {  	s3 =	sadd.s32 $0x88, s3;
	s6 =	simm.s32 @!p1 $0x1082;
	[sflag:s4] =	ssyncset.s32 $0xFFFFF086  }
0x25: {  	[simem:s6], [sflag:s4] =	dma.local [hbm:s3], $0xF7A  }
0x26: {  	[smem:$0x3F9D] =	sst s1;
	(tag) =	ssettag s2;
	_ =	strace s9  }
0x27: {  	s1 =	sld [smem:$0x3FAD]  }
0x28: {  	s2 =	sld [smem:$0x3FAE]  }
0x29: {  	s4 =	sld [smem:$0x3FB0]  }
0x2a: {  	p0 =	seq.s32 s5, $0x0;
	s5 =	sld [smem:$0x3FB1]  }
0x2b: {  	s6 =	sld [smem:$0x3FB2]  }
0x2c: {  	s7 =	sld [smem:$0x3FB3]  }
0x2d: {  	s3 =	simm.s32 $0x108;
	s8 =	sld [smem:$0x3FB4]  }
0x2e: {  	s3 =	simm.s32 @!p0 $0x1082;
	s9 =	sld [smem:$0x3FB5]  }
0x2f: {  	lr =	sadd.s32 s0, s3;
	s0 =	sld [smem:$0x3FAC]  }
0x30: {  	s3 =	sld [smem:$0x3FAF]  }
0x31: {  	[smem:$0x3FB8] =	sst s10  }
0x32: {  	s10 =	sld [smem:$0x3FB6];
	_ =	sdelay $0x3  }
0x33: {  	p0 =	seq.s32 s10, $0x1;
	s10 =	sld [smem:$0x3FB8];
	_ =	sdelay $0x3  }
0x34: {  	[smem:$0x3FB8] =	sst s10  }
0x35: {  	s10 =	sld [smem:$0x3FB7];
	_ =	sdelay $0x3  }
0x36: {  	p1 =	seq.s32 s10, $0x1;
	s10 =	sld [smem:$0x3FB8];
	_ =	sdelay $0x3  }
0x37: {  	[smem:$0x3FB8] =	sst s10  }
0x38: {  	s10 =	sld [smem:$0x3FB9]  }
0x39: {  	_ = 	snop;
	(pc) =	sbr.ind lr, $3  }
0x3a: {  	_ = 	snop  }
0x3b: {  	_ = 	snop  }
0x3c: {  	p2 =	seq.s32 s10, $0x1;
	s10 =	sld [smem:$0x3FB8]  }
0x3d: {  	_ =	shalt  }
0x3e: {  	_ =	shalt  }
0x3f: {  	_ =	shalt  }
0x40: {  	_ =	shalt  }
0x41: {  	_ =	shalt  }
0x42: {  	_ =	shalt  }
0x43: {  	_ =	shalt  }
0x44: {  	_ =	shalt  }
0x45: {  	_ =	shalt  }
0x46: {  	_ =	shalt  }
0x47: {  	_ =	shalt  }
0x48: {  	_ =	shalt  }
0x49: {  	_ =	shalt  }
0x4a: {  	_ =	shalt  }
0x4b: {  	_ =	shalt  }
0x4c: {  	_ =	shalt  }
0x4d: {  	_ =	shalt  }
0x4e: {  	_ =	shalt  }
0x4f: {  	_ =	shalt  }
0x50: {  	_ =	shalt  }
0x51: {  	_ =	shalt  }
0x52: {  	_ =	shalt  }
0x53: {  	_ =	shalt  }
0x54: {  	_ =	shalt  }
0x55: {  	_ =	shalt  }
0x56: {  	_ =	shalt  }
0x57: {  	_ =	shalt  }
0x58: {  	_ =	shalt  }
0x59: {  	_ =	shalt  }
0x5a: {  	_ =	shalt  }
0x5b: {  	_ =	shalt  }
0x5c: {  	_ =	shalt  }
0x5d: {  	_ =	shalt  }
0x5e: {  	_ =	shalt  }
0x5f: {  	_ =	shalt  }
0x60: {  	_ =	shalt  }
0x61: {  	_ =	shalt  }
0x62: {  	_ =	shalt  }
0x63: {  	_ =	shalt  }
0x64: {  	_ =	shalt  }
0x65: {  	_ =	shalt  }
0x66: {  	_ =	shalt  }
0x67: {  	_ =	shalt  }
0x68: {  	_ =	shalt  }
0x69: {  	_ =	shalt  }
0x6a: {  	_ =	shalt  }
0x6b: {  	_ =	shalt  }
0x6c: {  	_ =	shalt  }
0x6d: {  	_ =	shalt  }
0x6e: {  	_ =	shalt  }
0x6f: {  	_ =	shalt  }
0x70: {  	_ =	shalt  }
0x71: {  	_ =	shalt  }
0x72: {  	_ =	shalt  }
0x73: {  	_ =	shalt  }
0x74: {  	_ =	shalt  }
0x75: {  	_ =	shalt  }
0x76: {  	_ =	shalt  }
0x77: {  	_ =	shalt  }
0x78: {  	_ =	shalt  }
0x79: {  	_ =	shalt  }
0x7a: {  	_ =	shalt  }
0x7b: {  	_ =	shalt  }
0x7c: {  	_ =	shalt  }
0x7d: {  	_ =	shalt  }
0x7e: {  	_ =	shalt  }
0x7f: {  	_ =	shalt  }
0x80: {  	_ =	shalt  }
0x81: {  	_ =	shalt  }
0x82: {  	_ =	shalt  }
0x83: {  	_ =	shalt  }
0x84: {  	_ =	shalt  }
0x85: {  	_ =	shalt  }
0x86: {  	_ =	shalt  }
0x87: {  	_ =	shalt  }
.Lfunc_end0:
.L_simem_size_0:
called_computation.1_lowered:
.L_overlay_start_0:
0x88: {  	s2 =	sld [smem:$0x3FD9]  }
0x89: {  	s3 =	sld [smem:$0x3FFE];
	_ =	sdelay $0x1  }
0x8a: {  	s1 =	srdreg.scid  }
0x8b: {  	s0 =	sand.u32 $0x1, s1  }
0x8c: {  	s17 =	sshll.u32 s0, $0xA;
	s2 =	sadd.s32 s3, s2  }
0x8d: {  	s2 =	sadd.s32 s2, s17  }
0x8e: {  	[smem:$0x3FC4] =	sst s2  }
0x8f: {  	_ = 	snop  }
0x90: {  	s2 =	sld [smem:$0x3FD0];
	(tm) =	ssettm $0x1  }
0x91: {  	s18 =	sld [smem:$0x3FFB];
	_ =	sdelay $0x3  }
0x92: {  	_ =	strace s18  }
0x93: {  	s3 =	sld [smem:$0x3FFC];
	_ =	sdelay $0x3  }
0x94: {  	_ =	strace s3  }
0x95: {  	s3 =	sld [smem:$0x3FFD];
	_ =	sdelay $0x3  }
0x96: {  	_ =	strace s3  }
0x97: {  	_ =	strace $0x8FFFFFFF  }
0x98: {  	s19 =	sld [smem:$0x3FDB];
	_ =	sdelay $0x1  }
0x99: {  	s4 =	simm.s32 $_scs_section_size  }
0x9a: {  	s5 =	simm.s32 $_size__tile_overlayer_lowered;
	s6 =	simm.s32 $_tile_overlayer_lowered  }
0x9b: {  	s22 =	simm.s32 $0x1BFF;
	s21 =	sshll.u32 s6, $0x1;
	s3 =	sadd.s32 s4, s19  }
0x9c: {  	s7 =	simm.s32 $0x0;
	s20 =	sshll.u32 s5, $0x1;
	s5 =	sadd.s32 s21, s3  }
0x9d: {  	[timem:s7], [sflag:s22] =	dma.local [hbm:s5], s20  }
0x9e: {  	_ =	swait.ge [sflag:s22], s20  }
0x9f: {  	s4 =	ssub.s32 $0x0, s20;
	[sflag:s22] =	ssyncset.done $0x0  }
0xa0: {  	[sflag:s22] =	ssyncadd.s32 s4;
	_ =	sdelay $0x1  }
0xa1: {  	s23 =	simm.s32 $0x1B8B  }
0xa2: {  	_ =	swait.ge [sflag:s23], $0x1  }
0xa3: {  	[sflag:s23] =	ssyncset.done $0x0  }
0xa4: {  	s25 =	simm.s32 $0x1B8E;
	s24 =	sld [smem:$0x3FFE];
	[sflag:s23] =	ssyncadd.s32 $0xFFFFFFFF  }
0xa5: {  	s26 =	simm.s32 $execute0_lowered;
	[smem:$0x3FD2] =	sst s25  }
0xa6: {  	s5 =	sshll.u32 s26, $0x1;
	_ =	strace $0x80000049;
	[dreg:$0x1] =	wrdreg $0xFFFFFFFF  }
0xa7: {  	s28 =	simm.s32 $_size_execute0_lowered;
	s3 =	sadd.s32 s3, s5;
	[dreg:$0x0] =	wrdreg $0x0  }
0xa8: {  	s5 =	sshll.u32 s28, $0x1;
	[dreg:$0x2] =	wrdreg s3  }
0xa9: {  	[dreg:$0x3] =	wrdreg s5  }
0xaa: {  	[dreg:$0x4] =	wrdreg $0xC0  }
0xab: {  	_ =	task [dreg:s7], $0x5FFFF  }
0xac: {  	[dreg:$0x1] =	wrdreg $0xFFFFFFFF  }
0xad: {  	[dreg:$0x0] =	wrdreg $0x60  }
0xae: {  	[dreg:$0x2] =	wrdreg s2  }
0xaf: {  	[dreg:$0x3] =	wrdreg s24  }
0xb0: {  	[dreg:$0x4] =	wrdreg $0xA8000  }
0xb1: {  	[dreg:$0x5] =	wrdreg $0x9  }
0xb2: {  	_ =	task.clear_ibuf [dreg:s7], $0x6FFFF;
	_ =	strace $0x90000049  }
0xb3: {  	s29 =	simm.s32 $0x9;
	_ =	strace $0x8000004B  }
0xb4: {  	_ =	swait.ge [sflag:s29], $0x1  }
0xb5: {  	[sflag:s29] =	ssyncadd.s32 $0xFFFFFFFF  }
0xb6: {  	_ =	strace $0x9000004B  }
0xb7: {  	_ =	sfence  }
0xb8: {  	s30 =	sld [smem:$0x0];
	_ =	sdelay $0x2  }
0xb9: {  	s31 =	sshll.u32 s1, $0xD;
	s1 =	sshrl.u32 s1, $0x2  }
0xba: {  	s3 =	sand.u32 $0x4000, s31;
	s1 =	sadd.s32 s1, s30  }
0xbb: {  	s0 =	sor.u32 s3, s0;
	s1 =	sshll.u32 s1, $0x11  }
0xbc: {  	s0 =	sor.u32 s1, s0  }
0xbd: {  	s0 =	sadd.s32 $0x8F2B, s0  }
0xbe: {  	[sflag:s0] =	ssyncadd.remote.s32 $0x1  }
0xbf: {  	_ =	sfence.sel $0xFFFF  }
0xc0: {  	[dreg:$0x0] =	wrdreg $0xFFFFFFFF;
	(pc) =	sbr.abs _section_cstart, $3  }
0xc1: {  	[dreg:$0x1] =	wrdreg $0xFFFFFFFF  }
0xc2: {  	_ =	task.clear_ibuf [dreg:s7], $0x2FFFF;
	_ =	strace $0x9FFFFFFF  }
0xc3: {  	(tm) =	ssettm $0x7FFFFFFF  }
tec
execute0_lowered:
.L_overlay_start_1:
0x0: {  	(tag) =	ssettag $0x1  }
0x1: {  	s0 =	rddreg [dreg:$0x0]  }
0x2: {  	s6 =	rddreg [dreg:$0x1];
	s1 =	srdreg.scid  }
0x3: {  	s3 =	rddreg [dreg:$0x2];
	s2 =	stileid.u32  }
0x4: {  	s4 =	simm.s32 $0x0;
	s16 =	simm.s32 $0x80;
	s17 =	simm.s32 $0x2800  }
0x5: {  	s18 =	simm.s32 $0x6800;
	s19 =	simm.s32 $0x1;
	s20 =	simm.s32 $0x3  }
0x6: {  	s21 =	simm.s32 $0x2;
	s22 =	simm.s32 $0x4;
	s23 =	simm.s32 $0x2700  }
0x7: {  	s24 =	simm.s32 $0x2780;
	s7 =	sand.u32 $0x1, s1;
	s1 =	rddreg [dreg:$0x3]  }
0x8: {  	s25 =	simm.s32 $0x0;
	s8 =	smul.u32 $0x14000, s2;
	[smem:$0x7FF] =	sst s4  }
0x9: {  	s11 =	sadd.s32 $0xB200, s6;
	s12 =	sadd.s32 $0x1200, s6;
	s10 =	smul.u32 $0x50000, s2  }
0xa: {  	s13 =	sshll.u32 s2, $0x6;
	s5 =	smul.u32 $0x140000, s7;
	s9 =	ssub.s32 $0x2, s7  }
0xb: {  	_ =	strace $0x8000004A;
	s7 =	sshll.u32 s7, $0x4;
	s30 =	sshrl.u32 s9, $0x1  }
0xc: {  	s7 =	sor.u32 s2, s7;
	s10 =	sshrl.u32 s10, $0x2;
	s8 =	sadd.s32 s8, s5  }
0xd: {  	s5 =	sadd.s32 $0x15200, s6;
	s14 =	smul.u32 $0x2800, s7;
	s8 =	sshrl.u32 s8, $0x3  }
0xe: {  	s9 =	ssub.s32 s9, s30;
	s15 =	sadd.s32 s10, s3;
	s8 =	sadd.s32 s8, s6  }
0xf: {  	s6 =	sor.u32 $0x1C05, s13;
	s31 =	sshrl.u32 s14, $0x3;
	s14 =	simm.s32 $0x5  }
0x10: {  	s7 =	sadd.s32 $0x17A00, s8;
	s8 =	smax.u32 s9, $0x1;
	s13 =	sadd.s32 $0x280, s31  }
0x11: {  	s9 =	sadd.s32 s11, s31;
	s10 =	sadd.s32 s12, s31;
	s11 =	sadd.s32 s11, s13  }
0x12: {  	s12 =	sadd.s32 s12, s13;
	s13 =	sshrl.u32 s15, $0x3;
	s15 =	simm.s32 $0x1400  }
.LBB2_1:
0x13: {  	[spmem:s13], [sflag:s6] =	dma.local [hbm:s5], $0x2800  }
0x14: {  	_ =	swait.ge [sflag:s14], $0x2800  }
0x15: {  	[sflag:s14] =	ssyncset.done $0x0  }
0x16: {  	[sflag:s14] =	ssyncadd.s32 $0xFFFFD800  }
0x17: {  	[bflag:$0x0] =	sbarrier.arrive $0xFFFF  }
0x18: {  	[tilespmem:s4], [sflag:$0x5] =	stream.linear.gather [hbm4b:s9+s4], $0x1400, $0x38;
	[tilespmem:$0x1E800] =	vst v63  }
0x19: {  	_ =	swait.ge [sflag:s14], $0x1400  }
0x1a: {  	[sflag:s14] =	ssyncset.done $0x0  }
0x1b: {  	[sflag:s14] =	ssyncadd.s32 $0xFFFFEC00  }
0x1c: {  	[tilespmem:s15], [sflag:$0x5] =	stream.linear.gather [hbm4b:s10+s4], $0x1400, $0x38;
	[tilespmem:$0x1E800] =	vst v63  }
0x1d: {  	_ =	swait.ge [sflag:s14], $0x1400  }
0x1e: {  	[sflag:s14] =	ssyncset.done $0x0  }
0x1f: {  	[sflag:s14] =	ssyncadd.s32 $0xFFFFEC00  }
0x20: {  	[tilespmem:s17], [sflag:$0x1] =	stream.indirect.gather [hbm4b:s0+s16], $0x80, s4, s16, $0xb8;
	[tilespmem:$0x1E800] =	vst v63  }
0x21: {  	_ = 	snop  }
0x22: {  	[tilespmem:s18], [sflag:$0x2] =	stream.indirect.gather [hbm4b:s0+s16], $0x80, s16, s16, $0xb8;
	[tilespmem:$0x1E800] =	vst v63  }
0x23: {  	_ =	swait.ge [sflag:s19], $0x4000  }
0x24: {  	[sflag:s19] =	ssyncset.done $0x0  }
0x25: {  	s26 =	simm.s32 $0x1400;
	[sflag:s19] =	ssyncadd.s32 $0xFFFFC000  }
0x26: {  	[spmem:s3] =	stream.indirect.scatter.add.f32 [tilespmem:s17], [sflag:$0x3], $0x80, s26, s16, $0xb8;
	[tilespmem:$0x1E800] =	vst v63  }
0x27: {  	_ =	swait.ge [sflag:s20], $0x4000  }
0x28: {  	[sflag:s20] =	ssyncset.done $0x0  }
0x29: {  	s30 =	simm.s32 $0x100;
	[sflag:s20] =	ssyncadd.s32 $0xFFFFC000  }
0x2a: {  	[tilespmem:s17], [sflag:$0x1] =	stream.indirect.gather [hbm4b:s0+s16], $0x80, s30, s16, $0xb8;
	[tilespmem:$0x1E800] =	vst v63  }
0x2b: {  	_ =	swait.ge [sflag:s21], $0x4000  }
0x2c: {  	[sflag:s21] =	ssyncset.done $0x0  }
0x2d: {  	s31 =	simm.s32 $0x1480;
	[sflag:s21] =	ssyncadd.s32 $0xFFFFC000  }
0x2e: {  	[spmem:s3] =	stream.indirect.scatter.add.f32 [tilespmem:s18], [sflag:$0x4], $0x80, s31, s16, $0xb8;
	[tilespmem:$0x1E800] =	vst v63  }
0x2f: {  	_ =	swait.ge [sflag:s22], $0x4000  }
0x30: {  	[sflag:s22] =	ssyncset.done $0x0  }
0x31: {  	s28 =	simm.s32 $0x180;
	s26 =	simm.s32 $0x400;
	[sflag:s22] =	ssyncadd.s32 $0xFFFFC000  }
.LBB2_2:
0x32: {  	[tilespmem:s18], [sflag:$0x2] =	stream.indirect.gather [hbm4b:s0+s16], $0x80, s28, s16, $0xb8;
	[tilespmem:$0x1E800] =	vst v63  }
0x33: {  	s28 =	smov.u32 s26  }
0x34: {  	p0 =	sne.s32 s26, $0x4800;
	s26 =	sadd.s32 $0x400, s26;
	_ =	swait.ge [sflag:s19], $0x4000  }
0x35: {  	s28 =	sshra.s32 s28, $0x2;
	[sflag:s19] =	ssyncset.done $0x0  }
0x36: {  	s29 =	sadd.s32 $0x1400, s28;
	[sflag:s19] =	ssyncadd.s32 $0xFFFFC000  }
0x37: {  	[spmem:s3] =	stream.indirect.scatter.add.f32 [tilespmem:s17], [sflag:$0x3], $0x80, s29, s16, $0xb8;
	[tilespmem:$0x1E800] =	vst v63  }
0x38: {  	_ =	swait.ge [sflag:s20], $0x4000  }
0x39: {  	[sflag:s20] =	ssyncset.done $0x0  }
0x3a: {  	s29 =	sadd.s32 $0x100, s28;
	[sflag:s20] =	ssyncadd.s32 $0xFFFFC000  }
0x3b: {  	[tilespmem:s17], [sflag:$0x1] =	stream.indirect.gather [hbm4b:s0+s16], $0x80, s29, s16, $0xb8;
	[tilespmem:$0x1E800] =	vst v63  }
0x3c: {  	_ =	swait.ge [sflag:s21], $0x4000  }
0x3d: {  	[sflag:s21] =	ssyncset.done $0x0  }
.Ltmp0:
0x3e: {  	s29 =	sadd.s32 $0x1480, s28;
	[sflag:s21] =	ssyncadd.s32 $0xFFFFC000;
	(pc) =	sbr.rel @p0 .LBB2_2-.Ltmp0, $4  }
0x3f: {  	[spmem:s3] =	stream.indirect.scatter.add.f32 [tilespmem:s18], [sflag:$0x4], $0x80, s29, s16, $0xb8;
	[tilespmem:$0x1E800] =	vst v63  }
0x40: {  	_ =	swait.ge [sflag:s22], $0x4000  }
0x41: {  	[sflag:s22] =	ssyncset.done $0x0  }
0x42: {  	s28 =	sadd.s32 $0x180, s28;
	[sflag:s22] =	ssyncadd.s32 $0xFFFFC000  }
0x43: {  	[tilespmem:s18], [sflag:$0x2] =	stream.indirect.gather [hbm4b:s0+s16], $0x80, s28, s16, $0xb8;
	[tilespmem:$0x1E800] =	vst v63  }
0x44: {  	_ =	swait.ge [sflag:s19], $0x4000  }
0x45: {  	[sflag:s19] =	ssyncset.done $0x0  }
0x46: {  	[sflag:s19] =	ssyncadd.s32 $0xFFFFC000  }
0x47: {  	[spmem:s3] =	stream.indirect.scatter.add.f32 [tilespmem:s17], [sflag:$0x3], $0x80, s23, s16, $0xb8;
	[tilespmem:$0x1E800] =	vst v63  }
0x48: {  	_ =	swait.ge [sflag:s21], $0x4000  }
0x49: {  	[sflag:s21] =	ssyncset.done $0x0  }
0x4a: {  	[sflag:s21] =	ssyncadd.s32 $0xFFFFC000  }
0x4b: {  	[spmem:s3] =	stream.indirect.scatter.add.f32 [tilespmem:s18], [sflag:$0x4], $0x80, s24, s16, $0xb8;
	[tilespmem:$0x1E800] =	vst v63  }
0x4c: {  	_ =	swait.ge [sflag:s20], $0x4000  }
0x4d: {  	[sflag:s20] =	ssyncset.done $0x0  }
0x4e: {  	[sflag:s20] =	ssyncadd.s32 $0xFFFFC000  }
0x4f: {  	_ =	swait.ge [sflag:s22], $0x4000  }
0x50: {  	[sflag:s22] =	ssyncset.done $0x0  }
0x51: {  	s26 =	simm.s32 $0x0;
	[sflag:s22] =	ssyncadd.s32 $0xFFFFC000  }
0x52: {  	[tilespmem:s26], [sflag:$0x5] =	stream.linear.gather [hbm4b:s11+s26], $0x1400, $0x38;
	[tilespmem:$0x1E800] =	vst v63  }
0x53: {  	_ =	swait.ge [sflag:s14], $0x1400  }
0x54: {  	[sflag:s14] =	ssyncset.done $0x0  }
0x55: {  	[sflag:s14] =	ssyncadd.s32 $0xFFFFEC00  }
0x56: {  	[tilespmem:s15], [sflag:$0x5] =	stream.linear.gather [hbm4b:s12+s26], $0x1400, $0x38;
	[tilespmem:$0x1E800] =	vst v63  }
0x57: {  	_ =	swait.ge [sflag:s14], $0x1400  }
0x58: {  	[sflag:s14] =	ssyncset.done $0x0  }
0x59: {  	[sflag:s14] =	ssyncadd.s32 $0xFFFFEC00  }
0x5a: {  	[tilespmem:s17], [sflag:$0x1] =	stream.indirect.gather [hbm4b:s0+s16], $0x80, s26, s16, $0xb8;
	[tilespmem:$0x1E800] =	vst v63  }
0x5b: {  	_ = 	snop  }
0x5c: {  	[tilespmem:s18], [sflag:$0x2] =	stream.indirect.gather [hbm4b:s0+s16], $0x80, s16, s16, $0xb8;
	[tilespmem:$0x1E800] =	vst v63  }
0x5d: {  	_ =	swait.ge [sflag:s19], $0x4000  }
0x5e: {  	[sflag:s19] =	ssyncset.done $0x0  }
0x5f: {  	s29 =	simm.s32 $0x1400;
	[sflag:s19] =	ssyncadd.s32 $0xFFFFC000  }
0x60: {  	[spmem:s3] =	stream.indirect.scatter.add.f32 [tilespmem:s17], [sflag:$0x3], $0x80, s29, s16, $0xb8;
	[tilespmem:$0x1E800] =	vst v63  }
0x61: {  	_ =	swait.ge [sflag:s20], $0x4000  }
0x62: {  	[sflag:s20] =	ssyncset.done $0x0  }
0x63: {  	s30 =	simm.s32 $0x100;
	[sflag:s20] =	ssyncadd.s32 $0xFFFFC000  }
0x64: {  	[tilespmem:s17], [sflag:$0x1] =	stream.indirect.gather [hbm4b:s0+s16], $0x80, s30, s16, $0xb8;
	[tilespmem:$0x1E800] =	vst v63  }
0x65: {  	_ =	swait.ge [sflag:s21], $0x4000  }
0x66: {  	[sflag:s21] =	ssyncset.done $0x0  }
0x67: {  	s31 =	simm.s32 $0x1480;
	[sflag:s21] =	ssyncadd.s32 $0xFFFFC000  }
0x68: {  	[spmem:s3] =	stream.indirect.scatter.add.f32 [tilespmem:s18], [sflag:$0x4], $0x80, s31, s16, $0xb8;
	[tilespmem:$0x1E800] =	vst v63  }
0x69: {  	_ =	swait.ge [sflag:s22], $0x4000  }
0x6a: {  	[sflag:s22] =	ssyncset.done $0x0  }
0x6b: {  	s28 =	simm.s32 $0x180;
	s26 =	simm.s32 $0x400;
	[sflag:s22] =	ssyncadd.s32 $0xFFFFC000  }
.LBB2_4:
0x6c: {  	[tilespmem:s18], [sflag:$0x2] =	stream.indirect.gather [hbm4b:s0+s16], $0x80, s28, s16, $0xb8;
	[tilespmem:$0x1E800] =	vst v63  }
0x6d: {  	s28 =	smov.u32 s26  }
0x6e: {  	p0 =	sne.s32 s26, $0x4800;
	s26 =	sadd.s32 $0x400, s26;
	_ =	swait.ge [sflag:s19], $0x4000  }
0x6f: {  	s28 =	sshra.s32 s28, $0x2;
	[sflag:s19] =	ssyncset.done $0x0  }
0x70: {  	s29 =	sadd.s32 $0x1400, s28;
	[sflag:s19] =	ssyncadd.s32 $0xFFFFC000  }
0x71: {  	[spmem:s3] =	stream.indirect.scatter.add.f32 [tilespmem:s17], [sflag:$0x3], $0x80, s29, s16, $0xb8;
	[tilespmem:$0x1E800] =	vst v63  }
0x72: {  	_ =	swait.ge [sflag:s20], $0x4000  }
0x73: {  	[sflag:s20] =	ssyncset.done $0x0  }
0x74: {  	s29 =	sadd.s32 $0x100, s28;
	[sflag:s20] =	ssyncadd.s32 $0xFFFFC000  }
0x75: {  	[tilespmem:s17], [sflag:$0x1] =	stream.indirect.gather [hbm4b:s0+s16], $0x80, s29, s16, $0xb8;
	[tilespmem:$0x1E800] =	vst v63  }
0x76: {  	_ =	swait.ge [sflag:s21], $0x4000  }
0x77: {  	[sflag:s21] =	ssyncset.done $0x0  }
.Ltmp1:
0x78: {  	s29 =	sadd.s32 $0x1480, s28;
	[sflag:s21] =	ssyncadd.s32 $0xFFFFC000;
	(pc) =	sbr.rel @p0 .LBB2_4-.Ltmp1, $4  }
0x79: {  	[spmem:s3] =	stream.indirect.scatter.add.f32 [tilespmem:s18], [sflag:$0x4], $0x80, s29, s16, $0xb8;
	[tilespmem:$0x1E800] =	vst v63  }
0x7a: {  	_ =	swait.ge [sflag:s22], $0x4000  }
0x7b: {  	[sflag:s22] =	ssyncset.done $0x0  }
0x7c: {  	s28 =	sadd.s32 $0x180, s28;
	[sflag:s22] =	ssyncadd.s32 $0xFFFFC000  }
0x7d: {  	[tilespmem:s18], [sflag:$0x2] =	stream.indirect.gather [hbm4b:s0+s16], $0x80, s28, s16, $0xb8;
	[tilespmem:$0x1E800] =	vst v63  }
0x7e: {  	_ =	swait.ge [sflag:s19], $0x4000  }
0x7f: {  	[sflag:s19] =	ssyncset.done $0x0  }
0x80: {  	[sflag:s19] =	ssyncadd.s32 $0xFFFFC000  }
0x81: {  	[spmem:s3] =	stream.indirect.scatter.add.f32 [tilespmem:s17], [sflag:$0x3], $0x80, s23, s16, $0xb8;
	[tilespmem:$0x1E800] =	vst v63  }
0x82: {  	_ =	swait.ge [sflag:s21], $0x4000  }
0x83: {  	[sflag:s21] =	ssyncset.done $0x0  }
0x84: {  	[sflag:s21] =	ssyncadd.s32 $0xFFFFC000  }
0x85: {  	[spmem:s3] =	stream.indirect.scatter.add.f32 [tilespmem:s18], [sflag:$0x4], $0x80, s24, s16, $0xb8;
	[tilespmem:$0x1E800] =	vst v63  }
0x86: {  	_ =	swait.ge [sflag:s20], $0x4000  }
0x87: {  	[sflag:s20] =	ssyncset.done $0x0  }
0x88: {  	[sflag:s20] =	ssyncadd.s32 $0xFFFFC000  }
0x89: {  	_ =	swait.ge [sflag:s22], $0x4000  }
0x8a: {  	s25 =	sadd.s32 $0x1, s25;
	[sflag:s22] =	ssyncset.done $0x0  }
0x8b: {  	p0 =	sne.s32 s25, s8;
	[sflag:s22] =	ssyncadd.s32 $0xFFFFC000  }
.Ltmp2:
0x8c: {  	[bflag:$0x0] =	sbarrier.arrive $0xFFFF;
	(pc) =	sbr.rel @p0 .LBB2_1-.Ltmp2, $4  }
0x8d: {  	[hbm:s7], [sflag:s6] =	dma.local [spmem:s13], $0x2800  }
0x8e: {  	_ =	swait.ge [sflag:s14], $0x2800  }
0x8f: {  	[sflag:s14] =	ssyncset.done $0x0  }
0x90: {  	[sflag:s14] =	ssyncadd.s32 $0xFFFFD800  }
0x91: {  	_ =	sfence.sel $0x180000  }
0x92: {  	[bflag:$0x0] =	sbarrier.arrive $0xFFFF  }
0x93: {  	p0 =	sne.s32 s2, $0x0;
	_ =	strace $0x9000004A  }
0x94: {  	s0 =	sadd.s32 @!p0 $0x100000, s1;
	[bflag:$0x2] =	sbarrier.arrive $0xFFFF  }
0x95: {  	[sflag:s0] =	ssyncadd.tile.s32 @!p0 $0x1;
	_ =	shalt  }
.Lfunc_end2:
_tile_overlayer_lowered:
.L_overlay_start_2:
0x96: {  	(tag) =	ssettag $0x2  }
0x97: {  	s0 =	rddreg [dreg:$0x0];
	s2 =	stileid.u32  }
0x98: {  	s1 =	rddreg [dreg:$0x1];
	p0 =	sne.s32 s2, $0x0  }
0x99: {  	s3 =	rddreg [dreg:$0x2];
	[bflag:$0x3] =	sbarrier.arrive $0xFFFF;
	s2 =	simm.s32 @!p0 $0x1C05  }
0x9a: {  	[timem:s3], [sflag:s2] =	dma.local @!p0 [hbm:s0], s1  }
0x9b: {  	s0 =	simm.s32 @!p0 $0x5  }
0x9c: {  	_ =	swait.ge @!p0 [sflag:s0], s1  }
0x9d: {  	s1 =	ssub.s32 @!p0 $0x0, s1;
	[sflag:s0] =	ssyncset.done @!p0 $0x0  }
0x9e: {  	[sflag:s0] =	ssyncadd.s32 @!p0 s1  }
0x9f: {  	[bflag:$0x3] =	sbarrier.arrive $0xFFFF  }
0xa0: {  	_ =	shalt  }

</sc_bundles>
